<compile_context>
chip_gen: v7x
topology: tpu7x:2x2x1
jax: 0.10.2.dev20260603
libtpu: 0.0.44.dev20260713+nightly
codegen_flags: <defaults>
</compile_context>

<pallas_src>
import functools

import jax
import jax.numpy as jnp
from jax import lax
from jax.experimental import pallas as pl
from jax.experimental.pallas import tpu as pltpu
from jax.experimental.pallas import tpu_sc as plsc

EDGES = 320000
RPAD = 512
BPAD = 10240
D = 128
KBLK = 1024
NK = BPAD // KBLK

NC = 2
NS = 16
NW = NC * NS

CHUNK = 8000
NCH = EDGES // CHUNK
NPAIR = NCH // 2
PER_TILE = EDGES // NS
CH0 = 4000
NCH0 = PER_TILE // CH0
SLAB_R = 8
SLAB_W = SLAB_R * BPAD
SLAB_PAD = SLAB_W + 16
NSLAB_PER_TILE = (RPAD // SLAB_R) // NS

GB = BPAD // NW
GH = GB // 2

_MESH = dict(core_axis_name="c", subcore_axis_name="s", num_cores=NC,
             num_subcores=NS)


@functools.partial(
    pl.kernel,
    out_type=[
        jax.ShapeDtypeStruct((NC * EDGES,), jnp.int32),
        jax.ShapeDtypeStruct((2 * RPAD * BPAD,), jnp.float32),
        jax.ShapeDtypeStruct((BPAD, D), jnp.float32),
    ],
    mesh=plsc.VectorSubcoreMesh(**_MESH),
    scratch_types=[
        pltpu.VMEM((CHUNK,), jnp.int32),
        pltpu.VMEM((CHUNK,), jnp.int32),
        pltpu.VMEM((SLAB_PAD,), jnp.float32),
        pltpu.VMEM((GB,), jnp.int32),
        pltpu.VMEM((GH, D), jnp.float32),
        pltpu.SemaphoreType.DMA,
        pltpu.SemaphoreType.DMA,
        pltpu.SemaphoreType.DMA,
    ],
    compiler_params=pltpu.CompilerParams(needs_layout_passes=False),
)
def _sc_count(etype, eidx, table, nid, keys, cflat, g,
              kb0, kb1, slab, idx_v, rows_v, sem0, sem1, semg):
    cid = lax.axis_index("c")
    sid = lax.axis_index("s")
    wid = sid * NC + cid
    gbase = wid * GB
    pltpu.sync_copy(nid.at[pl.ds(gbase, GB)], idx_v)
    pltpu.async_copy(table.at[idx_v.at[pl.ds(0, GH)]], rows_v, semg)
    ones = jnp.ones((16,), jnp.float32)
    limit_u = plsc.bitcast(SLAB_W + lax.iota(jnp.int32, 16), jnp.uint32)
    kbase = cid * EDGES

    for c0 in range(NCH0):
        base = sid * PER_TILE + c0 * CH0
        pltpu.sync_copy(etype.at[pl.ds(base, CH0)], kb0.at[pl.ds(0, CH0)])
        pltpu.sync_copy(eidx.at[pl.ds(kbase + base, CH0)],
                        kb1.at[pl.ds(0, CH0)])

        @plsc.parallel_loop(0, CH0, 16, unroll=8)
        def _p0(i):
            s16 = pl.ds(i, 16)
            kb1[s16] = kb0[s16] * BPAD + kb1[s16]
        pltpu.sync_copy(kb1.at[pl.ds(0, CH0)],
                        keys.at[pl.ds(kbase + base, CH0)])
    pltpu.make_async_copy(table.at[idx_v.at[pl.ds(0, GH)]], rows_v, semg).wait()
    pltpu.sync_copy(rows_v, g.at[pl.ds(gbase, GH)])
    pltpu.async_copy(table.at[idx_v.at[pl.ds(GH, GH)]], rows_v, semg)
    plsc.subcore_barrier()

    for j in range(NSLAB_PER_TILE):
        rb = sid * NSLAB_PER_TILE + j
        lo_key = rb * SLAB_W

        @plsc.parallel_loop(0, SLAB_W, 16, unroll=8)
        def _zero(i):
            slab[pl.ds(i, 16)] = jnp.zeros((16,), jnp.float32)

        def process(kb):
            @plsc.parallel_loop(0, CHUNK, 16, unroll=8)
            def _inner(i):
                kv = kb[pl.ds(i, 16)]
                tu = plsc.bitcast(kv - lo_key, jnp.uint32)
                idx = plsc.bitcast(jnp.minimum(tu, limit_u), jnp.int32)
                plsc.addupdate_scatter(slab, [idx], ones)

        pltpu.async_copy(keys.at[pl.ds(kbase, CHUNK)], kb0, sem0)

        def pair(p, carry):
            off1 = kbase + (2 * p + 1) * CHUNK
            pltpu.async_copy(keys.at[pl.ds(off1, CHUNK)], kb1, sem1)
            pltpu.make_async_copy(keys.at[pl.ds(kbase, CHUNK)], kb0,
                                  sem0).wait()
            process(kb0)

            @pl.when(p < NPAIR - 1)
            def _refill():
                off2 = kbase + (2 * p + 2) * CHUNK
                pltpu.async_copy(keys.at[pl.ds(off2, CHUNK)], kb0, sem0)

            pltpu.make_async_copy(keys.at[pl.ds(kbase, CHUNK)], kb1,
                                  sem1).wait()
            process(kb1)
            return carry

        lax.fori_loop(0, NPAIR, pair, 0)
        row0 = (cid * RPAD + rb * SLAB_R) * BPAD
        pltpu.sync_copy(slab.at[pl.ds(0, SLAB_W)],
                        cflat.at[pl.ds(row0, SLAB_W)])
        if j == 0:
            pltpu.make_async_copy(table.at[idx_v.at[pl.ds(GH, GH)]], rows_v,
                                  semg).wait()
            pltpu.sync_copy(rows_v, g.at[pl.ds(gbase + GH, GH)])


def _tc_body(c_ref, g_ref, h0_ref, wih_ref, whh_ref, bih_ref, bhh_ref,
             out_ref, sums_ref, cnt_ref):
    k = pl.program_id(1)

    @pl.when(k == 0)
    def _init():
        sums_ref[...] = jnp.zeros_like(sums_ref)
        cnt_ref[...] = jnp.zeros_like(cnt_ref)

    cf = c_ref[0].astype(jnp.float32)
    sums_ref[...] += lax.dot_general(
        cf, g_ref[...], (((1,), (0,)), ((), ())),
        preferred_element_type=jnp.float32)
    cnt_ref[...] += jnp.broadcast_to(
        jnp.sum(cf, axis=1, keepdims=True), (RPAD, D))

    @pl.when(k == NK - 1)
    def _finish():
        mean = sums_ref[...] / jnp.maximum(cnt_ref[...], 1.0)
        h = h0_ref[0]
        gi = lax.dot_general(mean, wih_ref[...], (((1,), (1,)), ((), ())),
                             preferred_element_type=jnp.float32) + bih_ref[...]
        gh = lax.dot_general(h, whh_ref[...], (((1,), (1,)), ((), ())),
                             preferred_element_type=jnp.float32) + bhh_ref[...]
        r = jax.nn.sigmoid(gi[:, :D] + gh[:, :D])
        z = jax.nn.sigmoid(gi[:, D:2 * D] + gh[:, D:2 * D])
        n = jnp.tanh(gi[:, 2 * D:] + r * gh[:, 2 * D:])
        out_ref[0] = (1.0 - z) * n + z * h


def _tc_call(c, g, h0, w_ih, w_hh, b_ih, b_hh):
    return pl.pallas_call(
        _tc_body,
        grid=(2, NK),
        in_specs=[
            pl.BlockSpec((1, RPAD, KBLK), lambda s, k: (s, 0, k)),
            pl.BlockSpec((KBLK, D), lambda s, k: (k, 0)),
            pl.BlockSpec((1, RPAD, D), lambda s, k: (s, 0, 0)),
            pl.BlockSpec((3 * D, D), lambda s, k: (0, 0)),
            pl.BlockSpec((3 * D, D), lambda s, k: (0, 0)),
            pl.BlockSpec((1, 3 * D), lambda s, k: (0, 0)),
            pl.BlockSpec((1, 3 * D), lambda s, k: (0, 0)),
        ],
        out_specs=pl.BlockSpec((1, RPAD, D), lambda s, k: (s, 0, 0)),
        out_shape=jax.ShapeDtypeStruct((2, RPAD, D), jnp.float32),
        scratch_shapes=[
            pltpu.VMEM((RPAD, D), jnp.float32),
            pltpu.VMEM((RPAD, D), jnp.float32),
        ],
        compiler_params=pltpu.CompilerParams(
            dimension_semantics=("arbitrary", "arbitrary")),
    )(c, g, h0, w_ih, w_hh, b_ih, b_hh)


def kernel(edge_index, edge_type, node_id, dynamic_relation_emb,
           static_entity_emb, W_ih, W_hh, b_ih, b_hh):
    edge_type = edge_type.astype(jnp.int32)
    eidx = edge_index.astype(jnp.int32).reshape(-1)
    node_id = node_id.astype(jnp.int32)

    nid_pad = jnp.pad(node_id, (0, BPAD - node_id.shape[0]))
    _, cflat, g = _sc_count(edge_type, eidx, static_entity_emb, nid_pad)
    c = cflat.reshape(2, RPAD, BPAD)

    h_src = dynamic_relation_emb[:, 0, :, 0]
    h_dst = dynamic_relation_emb[:, 0, :, 1]
    nrel = h_src.shape[0]
    h0 = jnp.stack([
        jnp.pad(h_src, ((0, RPAD - nrel), (0, 0))),
        jnp.pad(h_dst, ((0, RPAD - nrel), (0, 0))),
    ])

    out = _tc_call(c, g, h0, W_ih, W_hh,
                   b_ih.reshape(1, 3 * D), b_hh.reshape(1, 3 * D))
    h_src_new = out[0, :nrel]
    h_dst_new = out[1, :nrel]
    return jnp.concatenate(
        [h_src_new[:, None, :, None], h_dst_new[:, None, :, None]], axis=-1)

# --- scband reference (transcript-rebuilt; emitter-appended) ---
"""Pipeline reference for scband-relation-rnn-80762565034490 (READ-ONLY COPY).

The authoritative reference and input builder live on the scoring server;
editing this copy changes nothing except your own understanding.
"""

import jax, jax.numpy as jnp
import numpy as np

E = 320000
N_BATCH = 10000
N_ENT = 100000
R = 500
D = 128
H = 128


def segment_mean(x, ids, num_segments):
    s = jax.ops.segment_sum(x, ids, num_segments=num_segments)
    c = jax.ops.segment_sum(jnp.ones((x.shape[0],), x.dtype), ids, num_segments=num_segments)
    return s / jnp.maximum(c, 1.0)[:, None]


def gru_step(x, h, W_ih, W_hh, b_ih, b_hh):
    gi = x @ W_ih.T + b_ih
    gh = h @ W_hh.T + b_hh
    i_r, i_z, i_n = jnp.split(gi, 3, axis=-1)
    h_r, h_z, h_n = jnp.split(gh, 3, axis=-1)
    r = jax.nn.sigmoid(i_r + h_r)
    z = jax.nn.sigmoid(i_z + h_z)
    n = jnp.tanh(i_n + r * h_n)
    return (1.0 - z) * n + z * h


def setup_inputs(seed: int = 0) -> dict:
    key = jax.random.key(seed)
    ks = jax.random.split(key, 10)
    edge_index = jax.random.randint(ks[0], (2, E), 0, N_BATCH, dtype=jnp.int64 if jax.config.jax_enable_x64 else jnp.int32)
    edge_type = jax.random.randint(ks[1], (E,), 0, R)
    # guarantee every relation appears so the unique() output has fixed size R
    edge_type = edge_type.at[:R].set(jnp.arange(R, dtype=edge_type.dtype))
    node_id = jax.random.randint(ks[2], (N_BATCH,), 0, N_ENT)
    dynamic_relation_emb = jax.random.normal(ks[3], (R, 1, H, 2), dtype=jnp.float32)
    static_entity_emb = jax.random.normal(ks[4], (N_ENT, D), dtype=jnp.float32)
    W_ih = jax.random.normal(ks[5], (3 * H, D), dtype=jnp.float32) * 0.05
    W_hh = jax.random.normal(ks[6], (3 * H, H), dtype=jnp.float32) * 0.05
    b_ih = jax.random.normal(ks[7], (3 * H,), dtype=jnp.float32) * 0.01
    b_hh = jax.random.normal(ks[8], (3 * H,), dtype=jnp.float32) * 0.01
    return {
        "edge_index": edge_index,
        "edge_type": edge_type,
        "node_id": node_id,
        "dynamic_relation_emb": dynamic_relation_emb,
        "static_entity_emb": static_entity_emb,
        "W_ih": W_ih,
        "W_hh": W_hh,
        "b_ih": b_ih,
        "b_hh": b_hh,
    }


def reference(edge_index, edge_type, node_id, dynamic_relation_emb, static_entity_emb, W_ih, W_hh, b_ih, b_hh):
    num_rels = dynamic_relation_emb.shape[0]
    batch_src = edge_index[0]
    batch_dst = edge_index[1]
    batch_src_nid = node_id[batch_src]
    batch_dst_nid = node_id[batch_dst]
    src_emb = jnp.take(static_entity_emb, batch_src_nid, axis=0)
    dst_emb = jnp.take(static_entity_emb, batch_dst_nid, axis=0)
    src_avg = segment_mean(src_emb, edge_type, num_rels)
    dst_avg = segment_mean(dst_emb, edge_type, num_rels)
    batch_uniq_rel = jnp.unique(edge_type, size=num_rels)  # sorted; full coverage by construction
    src_avg = src_avg[batch_uniq_rel]
    dst_avg = dst_avg[batch_uniq_rel]
    batch_dyn = dynamic_relation_emb[batch_uniq_rel]
    h_src = batch_dyn[..., 0][:, 0, :]  # (R, H), num_layers == 1
    h_dst = batch_dyn[..., 1][:, 0, :]
    h_src_new = gru_step(src_avg, h_src, W_ih, W_hh, b_ih, b_hh)
    h_dst_new = gru_step(dst_avg, h_dst, W_ih, W_hh, b_ih, b_hh)
    out = jnp.concatenate(
        [h_src_new[:, None, :, None], h_dst_new[:, None, :, None]], axis=-1
    )  # (R, num_layers=1, H, 2)
    return out

if __name__ == "__main__":
    import jax
    _d = setup_inputs()
    print(jax.jit(kernel)(*tuple(_d.values())))

</pallas_src>

<mosaic_0001>
#map = affine_map<(d0, d1) -> (0)>
#map1 = affine_map<(d0, d1) -> (0, 0)>
module attributes {stable_mosaic.version = 14 : i64} {
  func.func @_sc_count(%arg0: i32, %arg1: i32, %arg2: memref<320000xi32, #tpu.memory_space<hbm>>, %arg3: memref<640000xi32, #tpu.memory_space<hbm>>, %arg4: memref<100000x128xf32, #tpu.memory_space<hbm>>, %arg5: memref<10240xi32, #tpu.memory_space<hbm>>, %arg6: memref<640000xi32, #tpu.memory_space<hbm>>, %arg7: memref<10485760xf32, #tpu.memory_space<hbm>>, %arg8: memref<10240x128xf32, #tpu.memory_space<hbm>>, %arg9: memref<8000xi32, #tpu.memory_space<vmem>>, %arg10: memref<8000xi32, #tpu.memory_space<vmem>>, %arg11: memref<81936xf32, #tpu.memory_space<vmem>>, %arg12: memref<320xi32, #tpu.memory_space<vmem>>, %arg13: memref<160x128xf32, #tpu.memory_space<vmem>>, %arg14: memref<!tpu.dma_semaphore, #tpu.memory_space<semaphore_mem>>, %arg15: memref<!tpu.dma_semaphore, #tpu.memory_space<semaphore_mem>>, %arg16: memref<!tpu.dma_semaphore, #tpu.memory_space<semaphore_mem>>) attributes {dimension_semantics = [#tpu.dimension_semantics<core_parallel>, #tpu.dimension_semantics<subcore_parallel>], iteration_bounds = array<i64: 2, 16>, scalar_prefetch = 0 : i64, scratch_operands = 8 : i64, tpu.core_type = #tpu.core_type<sc_vector_subcore>, window_params = [{transform_indices = #map}, {transform_indices = #map}, {transform_indices = #map1}, {transform_indices = #map}, {transform_indices = #map}, {transform_indices = #map}, {transform_indices = #map1}]} {
    %mul3A = arith.constant 2 : i32
    %mul3A_0 = arith.muli %arg1, %mul3A : i32
    %add3A = arith.addi %mul3A_0, %arg0 : i32
    %mul3A_1 = arith.constant 320 : i32
    %mul3A_2 = arith.muli %add3A, %mul3A_1 : i32
    "tpu.region"() ({
      %run_scoped3A = tpu.sem_alloc : memref<!tpu.dma_semaphore, #tpu.memory_space<semaphore_mem>>
      %dma_start3A_168 = tpu.memref_slice %arg5[%mul3A_2] : memref<10240xi32, #tpu.memory_space<hbm>> -> memref<320xi32, #tpu.memory_space<hbm>>
      %dma_start3A_169 = tpu.memref_slice %arg5[%mul3A_2] : memref<10240xi32, #tpu.memory_space<hbm>> -> memref<320xi32, #tpu.memory_space<hbm>>
      tpu.enqueue_dma source(%dma_start3A_169 : memref<320xi32, #tpu.memory_space<hbm>>) target(%arg12 : memref<320xi32, #tpu.memory_space<vmem>>) target_semaphore(%run_scoped3A : memref<!tpu.dma_semaphore, #tpu.memory_space<semaphore_mem>>)
      %dma_wait3A_170 = tpu.memref_slice %arg5[%mul3A_2] : memref<10240xi32, #tpu.memory_space<hbm>> -> memref<320xi32, #tpu.memory_space<hbm>>
      %dma_wait3A_171 = tpu.memref_slice %arg5[%mul3A_2] : memref<10240xi32, #tpu.memory_space<hbm>> -> memref<320xi32, #tpu.memory_space<hbm>>
      tpu.wait_dma2 semaphore(%run_scoped3A : memref<!tpu.dma_semaphore, #tpu.memory_space<semaphore_mem>>) src(%dma_wait3A_171 : memref<320xi32, #tpu.memory_space<hbm>>) dst(%arg12 : memref<320xi32, #tpu.memory_space<vmem>>)
      tpu.yield
    }) : () -> ()
    %dma_start3A = arith.constant 0 : i32
    %dma_start3A_3 = tpu.memref_slice %arg12[%dma_start3A] : memref<320xi32, #tpu.memory_space<vmem>> -> memref<160xi32, #tpu.memory_space<vmem>>
    %dma_start3A_4 = arith.constant 0 : i32
    %dma_start3A_5 = arith.constant 0 : i32
    %dma_start3A_6 = tpu.memref_slice %arg4[%dma_start3A_4, %dma_start3A_5] : memref<100000x128xf32, #tpu.memory_space<hbm>> -> memref<100000x128xf32, #tpu.memory_space<hbm>>
    tpu.enqueue_indirect_dma source(%dma_start3A_6 : memref<100000x128xf32, #tpu.memory_space<hbm>>) target(%arg13 : memref<160x128xf32, #tpu.memory_space<vmem>>) offsets(%dma_start3A_3 : memref<160xi32, #tpu.memory_space<vmem>>) semaphore(%arg16 : memref<!tpu.dma_semaphore, #tpu.memory_space<semaphore_mem>>)
    %broadcast_in_dim3A = arith.constant 1.000000e+00 : f32
    %broadcast_in_dim3A_7 = vector.broadcast %broadcast_in_dim3A : f32 to vector<16xf32>
    %iota3A = tpu.iota {dimensions = array<i32: 0>} : vector<16xi32>
    %add3A_8 = arith.constant 81920 : i32
    %add3A_9 = vector.broadcast %add3A_8 : i32 to vector<16xi32>
    %add3A_10 = arith.addi %add3A_9, %iota3A : vector<16xi32>
    %bitcast3A = vector.bitcast %add3A_10 : vector<16xi32> to vector<16xi32>
    %mul3A_11 = arith.constant 320000 : i32
    %mul3A_12 = arith.muli %arg0, %mul3A_11 : i32
    %mul3A_13 = arith.constant 20000 : i32
    %mul3A_14 = arith.muli %arg1, %mul3A_13 : i32
    %add3A_15 = arith.constant 0 : i32
    %add3A_16 = arith.addi %mul3A_14, %add3A_15 : i32
    "tpu.region"() ({
      %run_scoped3A = tpu.sem_alloc : memref<!tpu.dma_semaphore, #tpu.memory_space<semaphore_mem>>
      %dma_start3A_168 = arith.constant 0 : i32
      %dma_start3A_169 = tpu.memref_slice %arg9[%dma_start3A_168] : memref<8000xi32, #tpu.memory_space<vmem>> -> memref<4000xi32, #tpu.memory_space<vmem>>
      %dma_start3A_170 = tpu.memref_slice %arg2[%add3A_16] : memref<320000xi32, #tpu.memory_space<hbm>> -> memref<4000xi32, #tpu.memory_space<hbm>>
      %dma_start3A_171 = arith.constant 0 : i32
      %dma_start3A_172 = tpu.memref_slice %arg9[%dma_start3A_171] : memref<8000xi32, #tpu.memory_space<vmem>> -> memref<4000xi32, #tpu.memory_space<vmem>>
      %dma_start3A_173 = tpu.memref_slice %arg2[%add3A_16] : memref<320000xi32, #tpu.memory_space<hbm>> -> memref<4000xi32, #tpu.memory_space<hbm>>
      tpu.enqueue_dma source(%dma_start3A_173 : memref<4000xi32, #tpu.memory_space<hbm>>) target(%dma_start3A_172 : memref<4000xi32, #tpu.memory_space<vmem>>) target_semaphore(%run_scoped3A : memref<!tpu.dma_semaphore, #tpu.memory_space<semaphore_mem>>)
      %dma_wait3A_174 = arith.constant 0 : i32
      %dma_wait3A_175 = tpu.memref_slice %arg9[%dma_wait3A_174] : memref<8000xi32, #tpu.memory_space<vmem>> -> memref<4000xi32, #tpu.memory_space<vmem>>
      %dma_wait3A_176 = tpu.memref_slice %arg2[%add3A_16] : memref<320000xi32, #tpu.memory_space<hbm>> -> memref<4000xi32, #tpu.memory_space<hbm>>
      %dma_wait3A_177 = arith.constant 0 : i32
      %dma_wait3A_178 = tpu.memref_slice %arg9[%dma_wait3A_177] : memref<8000xi32, #tpu.memory_space<vmem>> -> memref<4000xi32, #tpu.memory_space<vmem>>
      %dma_wait3A_179 = tpu.memref_slice %arg2[%add3A_16] : memref<320000xi32, #tpu.memory_space<hbm>> -> memref<4000xi32, #tpu.memory_space<hbm>>
      tpu.wait_dma2 semaphore(%run_scoped3A : memref<!tpu.dma_semaphore, #tpu.memory_space<semaphore_mem>>) src(%dma_wait3A_179 : memref<4000xi32, #tpu.memory_space<hbm>>) dst(%dma_wait3A_178 : memref<4000xi32, #tpu.memory_space<vmem>>)
      tpu.yield
    }) : () -> ()
    %add3A_17 = arith.addi %mul3A_12, %add3A_16 : i32
    "tpu.region"() ({
      %run_scoped3A = tpu.sem_alloc : memref<!tpu.dma_semaphore, #tpu.memory_space<semaphore_mem>>
      %dma_start3A_168 = arith.constant 0 : i32
      %dma_start3A_169 = tpu.memref_slice %arg10[%dma_start3A_168] : memref<8000xi32, #tpu.memory_space<vmem>> -> memref<4000xi32, #tpu.memory_space<vmem>>
      %dma_start3A_170 = tpu.memref_slice %arg3[%add3A_17] : memref<640000xi32, #tpu.memory_space<hbm>> -> memref<4000xi32, #tpu.memory_space<hbm>>
      %dma_start3A_171 = arith.constant 0 : i32
      %dma_start3A_172 = tpu.memref_slice %arg10[%dma_start3A_171] : memref<8000xi32, #tpu.memory_space<vmem>> -> memref<4000xi32, #tpu.memory_space<vmem>>
      %dma_start3A_173 = tpu.memref_slice %arg3[%add3A_17] : memref<640000xi32, #tpu.memory_space<hbm>> -> memref<4000xi32, #tpu.memory_space<hbm>>
      tpu.enqueue_dma source(%dma_start3A_173 : memref<4000xi32, #tpu.memory_space<hbm>>) target(%dma_start3A_172 : memref<4000xi32, #tpu.memory_space<vmem>>) target_semaphore(%run_scoped3A : memref<!tpu.dma_semaphore, #tpu.memory_space<semaphore_mem>>)
      %dma_wait3A_174 = arith.constant 0 : i32
      %dma_wait3A_175 = tpu.memref_slice %arg10[%dma_wait3A_174] : memref<8000xi32, #tpu.memory_space<vmem>> -> memref<4000xi32, #tpu.memory_space<vmem>>
      %dma_wait3A_176 = tpu.memref_slice %arg3[%add3A_17] : memref<640000xi32, #tpu.memory_space<hbm>> -> memref<4000xi32, #tpu.memory_space<hbm>>
      %dma_wait3A_177 = arith.constant 0 : i32
      %dma_wait3A_178 = tpu.memref_slice %arg10[%dma_wait3A_177] : memref<8000xi32, #tpu.memory_space<vmem>> -> memref<4000xi32, #tpu.memory_space<vmem>>
      %dma_wait3A_179 = tpu.memref_slice %arg3[%add3A_17] : memref<640000xi32, #tpu.memory_space<hbm>> -> memref<4000xi32, #tpu.memory_space<hbm>>
      tpu.wait_dma2 semaphore(%run_scoped3A : memref<!tpu.dma_semaphore, #tpu.memory_space<semaphore_mem>>) src(%dma_wait3A_179 : memref<4000xi32, #tpu.memory_space<hbm>>) dst(%dma_wait3A_178 : memref<4000xi32, #tpu.memory_space<vmem>>)
      tpu.yield
    }) : () -> ()
    %parallel_loop3A = arith.constant 0 : i32
    %parallel_loop3A_18 = arith.constant 4000 : i32
    %parallel_loop3A_19 = arith.constant 16 : i32
    scf.for %parallel_loop3A_168 = %parallel_loop3A to %parallel_loop3A_18 step %parallel_loop3A_19  : i32 {
      %parallel_loop3A_169 = arith.index_cast %parallel_loop3A_168 : i32 to index
      %parallel_loop3A_170 = tpu.vector_load %arg9[%parallel_loop3A_169] {strides = array<i32>} : memref<8000xi32, #tpu.memory_space<vmem>>, vector<16xi32>,
      %parallel_loop3A_171 = arith.constant 10240 : i32
      %parallel_loop3A_172 = vector.broadcast %parallel_loop3A_171 : i32 to vector<16xi32>
      %parallel_loop3A_173 = arith.muli %parallel_loop3A_170, %parallel_loop3A_172 : vector<16xi32>
      %parallel_loop3A_174 = arith.index_cast %parallel_loop3A_168 : i32 to index
      %parallel_loop3A_175 = tpu.vector_load %arg10[%parallel_loop3A_174] {strides = array<i32>} : memref<8000xi32, #tpu.memory_space<vmem>>, vector<16xi32>,
      %parallel_loop3A_176 = arith.addi %parallel_loop3A_173, %parallel_loop3A_175 : vector<16xi32>
      %parallel_loop3A_177 = arith.index_cast %parallel_loop3A_168 : i32 to index
      %parallel_loop3A_178 = tpu.vector_load %arg10[%parallel_loop3A_177] {strides = array<i32>} : memref<8000xi32, #tpu.memory_space<vmem>>, vector<16xi32>,
      tpu.vector_store %arg10[%parallel_loop3A_177], %parallel_loop3A_176 {strides = array<i32>} : memref<8000xi32, #tpu.memory_space<vmem>>, vector<16xi32>,
    } {sc.loop_unroll_factor = 8 : i64, sc.parallel_access}
    %add3A_20 = arith.addi %mul3A_12, %add3A_16 : i32
    "tpu.region"() ({
      %run_scoped3A = tpu.sem_alloc : memref<!tpu.dma_semaphore, #tpu.memory_space<semaphore_mem>>
      %dma_start3A_168 = arith.constant 0 : i32
      %dma_start3A_169 = tpu.memref_slice %arg10[%dma_start3A_168] : memref<8000xi32, #tpu.memory_space<vmem>> -> memref<4000xi32, #tpu.memory_space<vmem>>
      %dma_start3A_170 = tpu.memref_slice %arg6[%add3A_20] : memref<640000xi32, #tpu.memory_space<hbm>> -> memref<4000xi32, #tpu.memory_space<hbm>>
      %dma_start3A_171 = tpu.memref_slice %arg6[%add3A_20] : memref<640000xi32, #tpu.memory_space<hbm>> -> memref<4000xi32, #tpu.memory_space<hbm>>
      %dma_start3A_172 = arith.constant 0 : i32
      %dma_start3A_173 = tpu.memref_slice %arg10[%dma_start3A_172] : memref<8000xi32, #tpu.memory_space<vmem>> -> memref<4000xi32, #tpu.memory_space<vmem>>
      tpu.enqueue_dma source(%dma_start3A_173 : memref<4000xi32, #tpu.memory_space<vmem>>) target(%dma_start3A_171 : memref<4000xi32, #tpu.memory_space<hbm>>) target_semaphore(%run_scoped3A : memref<!tpu.dma_semaphore, #tpu.memory_space<semaphore_mem>>)
      %dma_wait3A_174 = arith.constant 0 : i32
      %dma_wait3A_175 = tpu.memref_slice %arg10[%dma_wait3A_174] : memref<8000xi32, #tpu.memory_space<vmem>> -> memref<4000xi32, #tpu.memory_space<vmem>>
      %dma_wait3A_176 = tpu.memref_slice %arg6[%add3A_20] : memref<640000xi32, #tpu.memory_space<hbm>> -> memref<4000xi32, #tpu.memory_space<hbm>>
      %dma_wait3A_177 = tpu.memref_slice %arg6[%add3A_20] : memref<640000xi32, #tpu.memory_space<hbm>> -> memref<4000xi32, #tpu.memory_space<hbm>>
      %dma_wait3A_178 = arith.constant 0 : i32
      %dma_wait3A_179 = tpu.memref_slice %arg10[%dma_wait3A_178] : memref<8000xi32, #tpu.memory_space<vmem>> -> memref<4000xi32, #tpu.memory_space<vmem>>
      tpu.wait_dma2 semaphore(%run_scoped3A : memref<!tpu.dma_semaphore, #tpu.memory_space<semaphore_mem>>) src(%dma_wait3A_179 : memref<4000xi32, #tpu.memory_space<vmem>>) dst(%dma_wait3A_177 : memref<4000xi32, #tpu.memory_space<hbm>>)
      tpu.yield
    }) : () -> ()
    %mul3A_21 = arith.constant 20000 : i32
    %mul3A_22 = arith.muli %arg1, %mul3A_21 : i32
    %add3A_23 = arith.constant 4000 : i32
    %add3A_24 = arith.addi %mul3A_22, %add3A_23 : i32
    "tpu.region"() ({
      %run_scoped3A = tpu.sem_alloc : memref<!tpu.dma_semaphore, #tpu.memory_space<semaphore_mem>>
      %dma_start3A_168 = arith.constant 0 : i32
      %dma_start3A_169 = tpu.memref_slice %arg9[%dma_start3A_168] : memref<8000xi32, #tpu.memory_space<vmem>> -> memref<4000xi32, #tpu.memory_space<vmem>>
      %dma_start3A_170 = tpu.memref_slice %arg2[%add3A_24] : memref<320000xi32, #tpu.memory_space<hbm>> -> memref<4000xi32, #tpu.memory_space<hbm>>
      %dma_start3A_171 = arith.constant 0 : i32
      %dma_start3A_172 = tpu.memref_slice %arg9[%dma_start3A_171] : memref<8000xi32, #tpu.memory_space<vmem>> -> memref<4000xi32, #tpu.memory_space<vmem>>
      %dma_start3A_173 = tpu.memref_slice %arg2[%add3A_24] : memref<320000xi32, #tpu.memory_space<hbm>> -> memref<4000xi32, #tpu.memory_space<hbm>>
      tpu.enqueue_dma source(%dma_start3A_173 : memref<4000xi32, #tpu.memory_space<hbm>>) target(%dma_start3A_172 : memref<4000xi32, #tpu.memory_space<vmem>>) target_semaphore(%run_scoped3A : memref<!tpu.dma_semaphore, #tpu.memory_space<semaphore_mem>>)
      %dma_wait3A_174 = arith.constant 0 : i32
      %dma_wait3A_175 = tpu.memref_slice %arg9[%dma_wait3A_174] : memref<8000xi32, #tpu.memory_space<vmem>> -> memref<4000xi32, #tpu.memory_space<vmem>>
      %dma_wait3A_176 = tpu.memref_slice %arg2[%add3A_24] : memref<320000xi32, #tpu.memory_space<hbm>> -> memref<4000xi32, #tpu.memory_space<hbm>>
      %dma_wait3A_177 = arith.constant 0 : i32
      %dma_wait3A_178 = tpu.memref_slice %arg9[%dma_wait3A_177] : memref<8000xi32, #tpu.memory_space<vmem>> -> memref<4000xi32, #tpu.memory_space<vmem>>
      %dma_wait3A_179 = tpu.memref_slice %arg2[%add3A_24] : memref<320000xi32, #tpu.memory_space<hbm>> -> memref<4000xi32, #tpu.memory_space<hbm>>
      tpu.wait_dma2 semaphore(%run_scoped3A : memref<!tpu.dma_semaphore, #tpu.memory_space<semaphore_mem>>) src(%dma_wait3A_179 : memref<4000xi32, #tpu.memory_space<hbm>>) dst(%dma_wait3A_178 : memref<4000xi32, #tpu.memory_space<vmem>>)
      tpu.yield
    }) : () -> ()
    %add3A_25 = arith.addi %mul3A_12, %add3A_24 : i32
    "tpu.region"() ({
      %run_scoped3A = tpu.sem_alloc : memref<!tpu.dma_semaphore, #tpu.memory_space<semaphore_mem>>
      %dma_start3A_168 = arith.constant 0 : i32
      %dma_start3A_169 = tpu.memref_slice %arg10[%dma_start3A_168] : memref<8000xi32, #tpu.memory_space<vmem>> -> memref<4000xi32, #tpu.memory_space<vmem>>
      %dma_start3A_170 = tpu.memref_slice %arg3[%add3A_25] : memref<640000xi32, #tpu.memory_space<hbm>> -> memref<4000xi32, #tpu.memory_space<hbm>>
      %dma_start3A_171 = arith.constant 0 : i32
      %dma_start3A_172 = tpu.memref_slice %arg10[%dma_start3A_171] : memref<8000xi32, #tpu.memory_space<vmem>> -> memref<4000xi32, #tpu.memory_space<vmem>>
      %dma_start3A_173 = tpu.memref_slice %arg3[%add3A_25] : memref<640000xi32, #tpu.memory_space<hbm>> -> memref<4000xi32, #tpu.memory_space<hbm>>
      tpu.enqueue_dma source(%dma_start3A_173 : memref<4000xi32, #tpu.memory_space<hbm>>) target(%dma_start3A_172 : memref<4000xi32, #tpu.memory_space<vmem>>) target_semaphore(%run_scoped3A : memref<!tpu.dma_semaphore, #tpu.memory_space<semaphore_mem>>)
      %dma_wait3A_174 = arith.constant 0 : i32
      %dma_wait3A_175 = tpu.memref_slice %arg10[%dma_wait3A_174] : memref<8000xi32, #tpu.memory_space<vmem>> -> memref<4000xi32, #tpu.memory_space<vmem>>
      %dma_wait3A_176 = tpu.memref_slice %arg3[%add3A_25] : memref<640000xi32, #tpu.memory_space<hbm>> -> memref<4000xi32, #tpu.memory_space<hbm>>
      %dma_wait3A_177 = arith.constant 0 : i32
      %dma_wait3A_178 = tpu.memref_slice %arg10[%dma_wait3A_177] : memref<8000xi32, #tpu.memory_space<vmem>> -> memref<4000xi32, #tpu.memory_space<vmem>>
      %dma_wait3A_179 = tpu.memref_slice %arg3[%add3A_25] : memref<640000xi32, #tpu.memory_space<hbm>> -> memref<4000xi32, #tpu.memory_space<hbm>>
      tpu.wait_dma2 semaphore(%run_scoped3A : memref<!tpu.dma_semaphore, #tpu.memory_space<semaphore_mem>>) src(%dma_wait3A_179 : memref<4000xi32, #tpu.memory_space<hbm>>) dst(%dma_wait3A_178 : memref<4000xi32, #tpu.memory_space<vmem>>)
      tpu.yield
    }) : () -> ()
    %parallel_loop3A_26 = arith.constant 0 : i32
    %parallel_loop3A_27 = arith.constant 4000 : i32
    %parallel_loop3A_28 = arith.constant 16 : i32
    scf.for %parallel_loop3A_168 = %parallel_loop3A_26 to %parallel_loop3A_27 step %parallel_loop3A_28  : i32 {
      %parallel_loop3A_169 = arith.index_cast %parallel_loop3A_168 : i32 to index
      %parallel_loop3A_170 = tpu.vector_load %arg9[%parallel_loop3A_169] {strides = array<i32>} : memref<8000xi32, #tpu.memory_space<vmem>>, vector<16xi32>,
      %parallel_loop3A_171 = arith.constant 10240 : i32
      %parallel_loop3A_172 = vector.broadcast %parallel_loop3A_171 : i32 to vector<16xi32>
      %parallel_loop3A_173 = arith.muli %parallel_loop3A_170, %parallel_loop3A_172 : vector<16xi32>
      %parallel_loop3A_174 = arith.index_cast %parallel_loop3A_168 : i32 to index
      %parallel_loop3A_175 = tpu.vector_load %arg10[%parallel_loop3A_174] {strides = array<i32>} : memref<8000xi32, #tpu.memory_space<vmem>>, vector<16xi32>,
      %parallel_loop3A_176 = arith.addi %parallel_loop3A_173, %parallel_loop3A_175 : vector<16xi32>
      %parallel_loop3A_177 = arith.index_cast %parallel_loop3A_168 : i32 to index
      %parallel_loop3A_178 = tpu.vector_load %arg10[%parallel_loop3A_177] {strides = array<i32>} : memref<8000xi32, #tpu.memory_space<vmem>>, vector<16xi32>,
      tpu.vector_store %arg10[%parallel_loop3A_177], %parallel_loop3A_176 {strides = array<i32>} : memref<8000xi32, #tpu.memory_space<vmem>>, vector<16xi32>,
    } {sc.loop_unroll_factor = 8 : i64, sc.parallel_access}
    %add3A_29 = arith.addi %mul3A_12, %add3A_24 : i32
    "tpu.region"() ({
      %run_scoped3A = tpu.sem_alloc : memref<!tpu.dma_semaphore, #tpu.memory_space<semaphore_mem>>
      %dma_start3A_168 = arith.constant 0 : i32
      %dma_start3A_169 = tpu.memref_slice %arg10[%dma_start3A_168] : memref<8000xi32, #tpu.memory_space<vmem>> -> memref<4000xi32, #tpu.memory_space<vmem>>
      %dma_start3A_170 = tpu.memref_slice %arg6[%add3A_29] : memref<640000xi32, #tpu.memory_space<hbm>> -> memref<4000xi32, #tpu.memory_space<hbm>>
      %dma_start3A_171 = tpu.memref_slice %arg6[%add3A_29] : memref<640000xi32, #tpu.memory_space<hbm>> -> memref<4000xi32, #tpu.memory_space<hbm>>
      %dma_start3A_172 = arith.constant 0 : i32
      %dma_start3A_173 = tpu.memref_slice %arg10[%dma_start3A_172] : memref<8000xi32, #tpu.memory_space<vmem>> -> memref<4000xi32, #tpu.memory_space<vmem>>
      tpu.enqueue_dma source(%dma_start3A_173 : memref<4000xi32, #tpu.memory_space<vmem>>) target(%dma_start3A_171 : memref<4000xi32, #tpu.memory_space<hbm>>) target_semaphore(%run_scoped3A : memref<!tpu.dma_semaphore, #tpu.memory_space<semaphore_mem>>)
      %dma_wait3A_174 = arith.constant 0 : i32
      %dma_wait3A_175 = tpu.memref_slice %arg10[%dma_wait3A_174] : memref<8000xi32, #tpu.memory_space<vmem>> -> memref<4000xi32, #tpu.memory_space<vmem>>
      %dma_wait3A_176 = tpu.memref_slice %arg6[%add3A_29] : memref<640000xi32, #tpu.memory_space<hbm>> -> memref<4000xi32, #tpu.memory_space<hbm>>
      %dma_wait3A_177 = tpu.memref_slice %arg6[%add3A_29] : memref<640000xi32, #tpu.memory_space<hbm>> -> memref<4000xi32, #tpu.memory_space<hbm>>
      %dma_wait3A_178 = arith.constant 0 : i32
      %dma_wait3A_179 = tpu.memref_slice %arg10[%dma_wait3A_178] : memref<8000xi32, #tpu.memory_space<vmem>> -> memref<4000xi32, #tpu.memory_space<vmem>>
      tpu.wait_dma2 semaphore(%run_scoped3A : memref<!tpu.dma_semaphore, #tpu.memory_space<semaphore_mem>>) src(%dma_wait3A_179 : memref<4000xi32, #tpu.memory_space<vmem>>) dst(%dma_wait3A_177 : memref<4000xi32, #tpu.memory_space<hbm>>)
      tpu.yield
    }) : () -> ()
    %mul3A_30 = arith.constant 20000 : i32
    %mul3A_31 = arith.muli %arg1, %mul3A_30 : i32
    %add3A_32 = arith.constant 8000 : i32
    %add3A_33 = arith.addi %mul3A_31, %add3A_32 : i32
    "tpu.region"() ({
      %run_scoped3A = tpu.sem_alloc : memref<!tpu.dma_semaphore, #tpu.memory_space<semaphore_mem>>
      %dma_start3A_168 = arith.constant 0 : i32
      %dma_start3A_169 = tpu.memref_slice %arg9[%dma_start3A_168] : memref<8000xi32, #tpu.memory_space<vmem>> -> memref<4000xi32, #tpu.memory_space<vmem>>
      %dma_start3A_170 = tpu.memref_slice %arg2[%add3A_33] : memref<320000xi32, #tpu.memory_space<hbm>> -> memref<4000xi32, #tpu.memory_space<hbm>>
      %dma_start3A_171 = arith.constant 0 : i32
      %dma_start3A_172 = tpu.memref_slice %arg9[%dma_start3A_171] : memref<8000xi32, #tpu.memory_space<vmem>> -> memref<4000xi32, #tpu.memory_space<vmem>>
      %dma_start3A_173 = tpu.memref_slice %arg2[%add3A_33] : memref<320000xi32, #tpu.memory_space<hbm>> -> memref<4000xi32, #tpu.memory_space<hbm>>
      tpu.enqueue_dma source(%dma_start3A_173 : memref<4000xi32, #tpu.memory_space<hbm>>) target(%dma_start3A_172 : memref<4000xi32, #tpu.memory_space<vmem>>) target_semaphore(%run_scoped3A : memref<!tpu.dma_semaphore, #tpu.memory_space<semaphore_mem>>)
      %dma_wait3A_174 = arith.constant 0 : i32
      %dma_wait3A_175 = tpu.memref_slice %arg9[%dma_wait3A_174] : memref<8000xi32, #tpu.memory_space<vmem>> -> memref<4000xi32, #tpu.memory_space<vmem>>
      %dma_wait3A_176 = tpu.memref_slice %arg2[%add3A_33] : memref<320000xi32, #tpu.memory_space<hbm>> -> memref<4000xi32, #tpu.memory_space<hbm>>
      %dma_wait3A_177 = arith.constant 0 : i32
      %dma_wait3A_178 = tpu.memref_slice %arg9[%dma_wait3A_177] : memref<8000xi32, #tpu.memory_space<vmem>> -> memref<4000xi32, #tpu.memory_space<vmem>>
      %dma_wait3A_179 = tpu.memref_slice %arg2[%add3A_33] : memref<320000xi32, #tpu.memory_space<hbm>> -> memref<4000xi32, #tpu.memory_space<hbm>>
      tpu.wait_dma2 semaphore(%run_scoped3A : memref<!tpu.dma_semaphore, #tpu.memory_space<semaphore_mem>>) src(%dma_wait3A_179 : memref<4000xi32, #tpu.memory_space<hbm>>) dst(%dma_wait3A_178 : memref<4000xi32, #tpu.memory_space<vmem>>)
      tpu.yield
    }) : () -> ()
    %add3A_34 = arith.addi %mul3A_12, %add3A_33 : i32
    "tpu.region"() ({
      %run_scoped3A = tpu.sem_alloc : memref<!tpu.dma_semaphore, #tpu.memory_space<semaphore_mem>>
      %dma_start3A_168 = arith.constant 0 : i32
      %dma_start3A_169 = tpu.memref_slice %arg10[%dma_start3A_168] : memref<8000xi32, #tpu.memory_space<vmem>> -> memref<4000xi32, #tpu.memory_space<vmem>>
      %dma_start3A_170 = tpu.memref_slice %arg3[%add3A_34] : memref<640000xi32, #tpu.memory_space<hbm>> -> memref<4000xi32, #tpu.memory_space<hbm>>
      %dma_start3A_171 = arith.constant 0 : i32
      %dma_start3A_172 = tpu.memref_slice %arg10[%dma_start3A_171] : memref<8000xi32, #tpu.memory_space<vmem>> -> memref<4000xi32, #tpu.memory_space<vmem>>
      %dma_start3A_173 = tpu.memref_slice %arg3[%add3A_34] : memref<640000xi32, #tpu.memory_space<hbm>> -> memref<4000xi32, #tpu.memory_space<hbm>>
      tpu.enqueue_dma source(%dma_start3A_173 : memref<4000xi32, #tpu.memory_space<hbm>>) target(%dma_start3A_172 : memref<4000xi32, #tpu.memory_space<vmem>>) target_semaphore(%run_scoped3A : memref<!tpu.dma_semaphore, #tpu.memory_space<semaphore_mem>>)
      %dma_wait3A_174 = arith.constant 0 : i32
      %dma_wait3A_175 = tpu.memref_slice %arg10[%dma_wait3A_174] : memref<8000xi32, #tpu.memory_space<vmem>> -> memref<4000xi32, #tpu.memory_space<vmem>>
      %dma_wait3A_176 = tpu.memref_slice %arg3[%add3A_34] : memref<640000xi32, #tpu.memory_space<hbm>> -> memref<4000xi32, #tpu.memory_space<hbm>>
      %dma_wait3A_177 = arith.constant 0 : i32
      %dma_wait3A_178 = tpu.memref_slice %arg10[%dma_wait3A_177] : memref<8000xi32, #tpu.memory_space<vmem>> -> memref<4000xi32, #tpu.memory_space<vmem>>
      %dma_wait3A_179 = tpu.memref_slice %arg3[%add3A_34] : memref<640000xi32, #tpu.memory_space<hbm>> -> memref<4000xi32, #tpu.memory_space<hbm>>
      tpu.wait_dma2 semaphore(%run_scoped3A : memref<!tpu.dma_semaphore, #tpu.memory_space<semaphore_mem>>) src(%dma_wait3A_179 : memref<4000xi32, #tpu.memory_space<hbm>>) dst(%dma_wait3A_178 : memref<4000xi32, #tpu.memory_space<vmem>>)
      tpu.yield
    }) : () -> ()
    %parallel_loop3A_35 = arith.constant 0 : i32
    %parallel_loop3A_36 = arith.constant 4000 : i32
    %parallel_loop3A_37 = arith.constant 16 : i32
    scf.for %parallel_loop3A_168 = %parallel_loop3A_35 to %parallel_loop3A_36 step %parallel_loop3A_37  : i32 {
      %parallel_loop3A_169 = arith.index_cast %parallel_loop3A_168 : i32 to index
      %parallel_loop3A_170 = tpu.vector_load %arg9[%parallel_loop3A_169] {strides = array<i32>} : memref<8000xi32, #tpu.memory_space<vmem>>, vector<16xi32>,
      %parallel_loop3A_171 = arith.constant 10240 : i32
      %parallel_loop3A_172 = vector.broadcast %parallel_loop3A_171 : i32 to vector<16xi32>
      %parallel_loop3A_173 = arith.muli %parallel_loop3A_170, %parallel_loop3A_172 : vector<16xi32>
      %parallel_loop3A_174 = arith.index_cast %parallel_loop3A_168 : i32 to index
      %parallel_loop3A_175 = tpu.vector_load %arg10[%parallel_loop3A_174] {strides = array<i32>} : memref<8000xi32, #tpu.memory_space<vmem>>, vector<16xi32>,
      %parallel_loop3A_176 = arith.addi %parallel_loop3A_173, %parallel_loop3A_175 : vector<16xi32>
      %parallel_loop3A_177 = arith.index_cast %parallel_loop3A_168 : i32 to index
      %parallel_loop3A_178 = tpu.vector_load %arg10[%parallel_loop3A_177] {strides = array<i32>} : memref<8000xi32, #tpu.memory_space<vmem>>, vector<16xi32>,
      tpu.vector_store %arg10[%parallel_loop3A_177], %parallel_loop3A_176 {strides = array<i32>} : memref<8000xi32, #tpu.memory_space<vmem>>, vector<16xi32>,
    } {sc.loop_unroll_factor = 8 : i64, sc.parallel_access}
    %add3A_38 = arith.addi %mul3A_12, %add3A_33 : i32
    "tpu.region"() ({
      %run_scoped3A = tpu.sem_alloc : memref<!tpu.dma_semaphore, #tpu.memory_space<semaphore_mem>>
      %dma_start3A_168 = arith.constant 0 : i32
      %dma_start3A_169 = tpu.memref_slice %arg10[%dma_start3A_168] : memref<8000xi32, #tpu.memory_space<vmem>> -> memref<4000xi32, #tpu.memory_space<vmem>>
      %dma_start3A_170 = tpu.memref_slice %arg6[%add3A_38] : memref<640000xi32, #tpu.memory_space<hbm>> -> memref<4000xi32, #tpu.memory_space<hbm>>
      %dma_start3A_171 = tpu.memref_slice %arg6[%add3A_38] : memref<640000xi32, #tpu.memory_space<hbm>> -> memref<4000xi32, #tpu.memory_space<hbm>>
      %dma_start3A_172 = arith.constant 0 : i32
      %dma_start3A_173 = tpu.memref_slice %arg10[%dma_start3A_172] : memref<8000xi32, #tpu.memory_space<vmem>> -> memref<4000xi32, #tpu.memory_space<vmem>>
      tpu.enqueue_dma source(%dma_start3A_173 : memref<4000xi32, #tpu.memory_space<vmem>>) target(%dma_start3A_171 : memref<4000xi32, #tpu.memory_space<hbm>>) target_semaphore(%run_scoped3A : memref<!tpu.dma_semaphore, #tpu.memory_space<semaphore_mem>>)
      %dma_wait3A_174 = arith.constant 0 : i32
      %dma_wait3A_175 = tpu.memref_slice %arg10[%dma_wait3A_174] : memref<8000xi32, #tpu.memory_space<vmem>> -> memref<4000xi32, #tpu.memory_space<vmem>>
      %dma_wait3A_176 = tpu.memref_slice %arg6[%add3A_38] : memref<640000xi32, #tpu.memory_space<hbm>> -> memref<4000xi32, #tpu.memory_space<hbm>>
      %dma_wait3A_177 = tpu.memref_slice %arg6[%add3A_38] : memref<640000xi32, #tpu.memory_space<hbm>> -> memref<4000xi32, #tpu.memory_space<hbm>>
      %dma_wait3A_178 = arith.constant 0 : i32
      %dma_wait3A_179 = tpu.memref_slice %arg10[%dma_wait3A_178] : memref<8000xi32, #tpu.memory_space<vmem>> -> memref<4000xi32, #tpu.memory_space<vmem>>
      tpu.wait_dma2 semaphore(%run_scoped3A : memref<!tpu.dma_semaphore, #tpu.memory_space<semaphore_mem>>) src(%dma_wait3A_179 : memref<4000xi32, #tpu.memory_space<vmem>>) dst(%dma_wait3A_177 : memref<4000xi32, #tpu.memory_space<hbm>>)
      tpu.yield
    }) : () -> ()
    %mul3A_39 = arith.constant 20000 : i32
    %mul3A_40 = arith.muli %arg1, %mul3A_39 : i32
    %add3A_41 = arith.constant 12000 : i32
    %add3A_42 = arith.addi %mul3A_40, %add3A_41 : i32
    "tpu.region"() ({
      %run_scoped3A = tpu.sem_alloc : memref<!tpu.dma_semaphore, #tpu.memory_space<semaphore_mem>>
      %dma_start3A_168 = arith.constant 0 : i32
      %dma_start3A_169 = tpu.memref_slice %arg9[%dma_start3A_168] : memref<8000xi32, #tpu.memory_space<vmem>> -> memref<4000xi32, #tpu.memory_space<vmem>>
      %dma_start3A_170 = tpu.memref_slice %arg2[%add3A_42] : memref<320000xi32, #tpu.memory_space<hbm>> -> memref<4000xi32, #tpu.memory_space<hbm>>
      %dma_start3A_171 = arith.constant 0 : i32
      %dma_start3A_172 = tpu.memref_slice %arg9[%dma_start3A_171] : memref<8000xi32, #tpu.memory_space<vmem>> -> memref<4000xi32, #tpu.memory_space<vmem>>
      %dma_start3A_173 = tpu.memref_slice %arg2[%add3A_42] : memref<320000xi32, #tpu.memory_space<hbm>> -> memref<4000xi32, #tpu.memory_space<hbm>>
      tpu.enqueue_dma source(%dma_start3A_173 : memref<4000xi32, #tpu.memory_space<hbm>>) target(%dma_start3A_172 : memref<4000xi32, #tpu.memory_space<vmem>>) target_semaphore(%run_scoped3A : memref<!tpu.dma_semaphore, #tpu.memory_space<semaphore_mem>>)
      %dma_wait3A_174 = arith.constant 0 : i32
      %dma_wait3A_175 = tpu.memref_slice %arg9[%dma_wait3A_174] : memref<8000xi32, #tpu.memory_space<vmem>> -> memref<4000xi32, #tpu.memory_space<vmem>>
      %dma_wait3A_176 = tpu.memref_slice %arg2[%add3A_42] : memref<320000xi32, #tpu.memory_space<hbm>> -> memref<4000xi32, #tpu.memory_space<hbm>>
      %dma_wait3A_177 = arith.constant 0 : i32
      %dma_wait3A_178 = tpu.memref_slice %arg9[%dma_wait3A_177] : memref<8000xi32, #tpu.memory_space<vmem>> -> memref<4000xi32, #tpu.memory_space<vmem>>
      %dma_wait3A_179 = tpu.memref_slice %arg2[%add3A_42] : memref<320000xi32, #tpu.memory_space<hbm>> -> memref<4000xi32, #tpu.memory_space<hbm>>
      tpu.wait_dma2 semaphore(%run_scoped3A : memref<!tpu.dma_semaphore, #tpu.memory_space<semaphore_mem>>) src(%dma_wait3A_179 : memref<4000xi32, #tpu.memory_space<hbm>>) dst(%dma_wait3A_178 : memref<4000xi32, #tpu.memory_space<vmem>>)
      tpu.yield
    }) : () -> ()
    %add3A_43 = arith.addi %mul3A_12, %add3A_42 : i32
    "tpu.region"() ({
      %run_scoped3A = tpu.sem_alloc : memref<!tpu.dma_semaphore, #tpu.memory_space<semaphore_mem>>
      %dma_start3A_168 = arith.constant 0 : i32
      %dma_start3A_169 = tpu.memref_slice %arg10[%dma_start3A_168] : memref<8000xi32, #tpu.memory_space<vmem>> -> memref<4000xi32, #tpu.memory_space<vmem>>
      %dma_start3A_170 = tpu.memref_slice %arg3[%add3A_43] : memref<640000xi32, #tpu.memory_space<hbm>> -> memref<4000xi32, #tpu.memory_space<hbm>>
      %dma_start3A_171 = arith.constant 0 : i32
      %dma_start3A_172 = tpu.memref_slice %arg10[%dma_start3A_171] : memref<8000xi32, #tpu.memory_space<vmem>> -> memref<4000xi32, #tpu.memory_space<vmem>>
      %dma_start3A_173 = tpu.memref_slice %arg3[%add3A_43] : memref<640000xi32, #tpu.memory_space<hbm>> -> memref<4000xi32, #tpu.memory_space<hbm>>
      tpu.enqueue_dma source(%dma_start3A_173 : memref<4000xi32, #tpu.memory_space<hbm>>) target(%dma_start3A_172 : memref<4000xi32, #tpu.memory_space<vmem>>) target_semaphore(%run_scoped3A : memref<!tpu.dma_semaphore, #tpu.memory_space<semaphore_mem>>)
      %dma_wait3A_174 = arith.constant 0 : i32
      %dma_wait3A_175 = tpu.memref_slice %arg10[%dma_wait3A_174] : memref<8000xi32, #tpu.memory_space<vmem>> -> memref<4000xi32, #tpu.memory_space<vmem>>
      %dma_wait3A_176 = tpu.memref_slice %arg3[%add3A_43] : memref<640000xi32, #tpu.memory_space<hbm>> -> memref<4000xi32, #tpu.memory_space<hbm>>
      %dma_wait3A_177 = arith.constant 0 : i32
      %dma_wait3A_178 = tpu.memref_slice %arg10[%dma_wait3A_177] : memref<8000xi32, #tpu.memory_space<vmem>> -> memref<4000xi32, #tpu.memory_space<vmem>>
      %dma_wait3A_179 = tpu.memref_slice %arg3[%add3A_43] : memref<640000xi32, #tpu.memory_space<hbm>> -> memref<4000xi32, #tpu.memory_space<hbm>>
      tpu.wait_dma2 semaphore(%run_scoped3A : memref<!tpu.dma_semaphore, #tpu.memory_space<semaphore_mem>>) src(%dma_wait3A_179 : memref<4000xi32, #tpu.memory_space<hbm>>) dst(%dma_wait3A_178 : memref<4000xi32, #tpu.memory_space<vmem>>)
      tpu.yield
    }) : () -> ()
    %parallel_loop3A_44 = arith.constant 0 : i32
    %parallel_loop3A_45 = arith.constant 4000 : i32
    %parallel_loop3A_46 = arith.constant 16 : i32
    scf.for %parallel_loop3A_168 = %parallel_loop3A_44 to %parallel_loop3A_45 step %parallel_loop3A_46  : i32 {
      %parallel_loop3A_169 = arith.index_cast %parallel_loop3A_168 : i32 to index
      %parallel_loop3A_170 = tpu.vector_load %arg9[%parallel_loop3A_169] {strides = array<i32>} : memref<8000xi32, #tpu.memory_space<vmem>>, vector<16xi32>,
      %parallel_loop3A_171 = arith.constant 10240 : i32
      %parallel_loop3A_172 = vector.broadcast %parallel_loop3A_171 : i32 to vector<16xi32>
      %parallel_loop3A_173 = arith.muli %parallel_loop3A_170, %parallel_loop3A_172 : vector<16xi32>
      %parallel_loop3A_174 = arith.index_cast %parallel_loop3A_168 : i32 to index
      %parallel_loop3A_175 = tpu.vector_load %arg10[%parallel_loop3A_174] {strides = array<i32>} : memref<8000xi32, #tpu.memory_space<vmem>>, vector<16xi32>,
      %parallel_loop3A_176 = arith.addi %parallel_loop3A_173, %parallel_loop3A_175 : vector<16xi32>
      %parallel_loop3A_177 = arith.index_cast %parallel_loop3A_168 : i32 to index
      %parallel_loop3A_178 = tpu.vector_load %arg10[%parallel_loop3A_177] {strides = array<i32>} : memref<8000xi32, #tpu.memory_space<vmem>>, vector<16xi32>,
      tpu.vector_store %arg10[%parallel_loop3A_177], %parallel_loop3A_176 {strides = array<i32>} : memref<8000xi32, #tpu.memory_space<vmem>>, vector<16xi32>,
    } {sc.loop_unroll_factor = 8 : i64, sc.parallel_access}
    %add3A_47 = arith.addi %mul3A_12, %add3A_42 : i32
    "tpu.region"() ({
      %run_scoped3A = tpu.sem_alloc : memref<!tpu.dma_semaphore, #tpu.memory_space<semaphore_mem>>
      %dma_start3A_168 = arith.constant 0 : i32
      %dma_start3A_169 = tpu.memref_slice %arg10[%dma_start3A_168] : memref<8000xi32, #tpu.memory_space<vmem>> -> memref<4000xi32, #tpu.memory_space<vmem>>
      %dma_start3A_170 = tpu.memref_slice %arg6[%add3A_47] : memref<640000xi32, #tpu.memory_space<hbm>> -> memref<4000xi32, #tpu.memory_space<hbm>>
      %dma_start3A_171 = tpu.memref_slice %arg6[%add3A_47] : memref<640000xi32, #tpu.memory_space<hbm>> -> memref<4000xi32, #tpu.memory_space<hbm>>
      %dma_start3A_172 = arith.constant 0 : i32
      %dma_start3A_173 = tpu.memref_slice %arg10[%dma_start3A_172] : memref<8000xi32, #tpu.memory_space<vmem>> -> memref<4000xi32, #tpu.memory_space<vmem>>
      tpu.enqueue_dma source(%dma_start3A_173 : memref<4000xi32, #tpu.memory_space<vmem>>) target(%dma_start3A_171 : memref<4000xi32, #tpu.memory_space<hbm>>) target_semaphore(%run_scoped3A : memref<!tpu.dma_semaphore, #tpu.memory_space<semaphore_mem>>)
      %dma_wait3A_174 = arith.constant 0 : i32
      %dma_wait3A_175 = tpu.memref_slice %arg10[%dma_wait3A_174] : memref<8000xi32, #tpu.memory_space<vmem>> -> memref<4000xi32, #tpu.memory_space<vmem>>
      %dma_wait3A_176 = tpu.memref_slice %arg6[%add3A_47] : memref<640000xi32, #tpu.memory_space<hbm>> -> memref<4000xi32, #tpu.memory_space<hbm>>
      %dma_wait3A_177 = tpu.memref_slice %arg6[%add3A_47] : memref<640000xi32, #tpu.memory_space<hbm>> -> memref<4000xi32, #tpu.memory_space<hbm>>
      %dma_wait3A_178 = arith.constant 0 : i32
      %dma_wait3A_179 = tpu.memref_slice %arg10[%dma_wait3A_178] : memref<8000xi32, #tpu.memory_space<vmem>> -> memref<4000xi32, #tpu.memory_space<vmem>>
      tpu.wait_dma2 semaphore(%run_scoped3A : memref<!tpu.dma_semaphore, #tpu.memory_space<semaphore_mem>>) src(%dma_wait3A_179 : memref<4000xi32, #tpu.memory_space<vmem>>) dst(%dma_wait3A_177 : memref<4000xi32, #tpu.memory_space<hbm>>)
      tpu.yield
    }) : () -> ()
    %mul3A_48 = arith.constant 20000 : i32
    %mul3A_49 = arith.muli %arg1, %mul3A_48 : i32
    %add3A_50 = arith.constant 16000 : i32
    %add3A_51 = arith.addi %mul3A_49, %add3A_50 : i32
    "tpu.region"() ({
      %run_scoped3A = tpu.sem_alloc : memref<!tpu.dma_semaphore, #tpu.memory_space<semaphore_mem>>
      %dma_start3A_168 = arith.constant 0 : i32
      %dma_start3A_169 = tpu.memref_slice %arg9[%dma_start3A_168] : memref<8000xi32, #tpu.memory_space<vmem>> -> memref<4000xi32, #tpu.memory_space<vmem>>
      %dma_start3A_170 = tpu.memref_slice %arg2[%add3A_51] : memref<320000xi32, #tpu.memory_space<hbm>> -> memref<4000xi32, #tpu.memory_space<hbm>>
      %dma_start3A_171 = arith.constant 0 : i32
      %dma_start3A_172 = tpu.memref_slice %arg9[%dma_start3A_171] : memref<8000xi32, #tpu.memory_space<vmem>> -> memref<4000xi32, #tpu.memory_space<vmem>>
      %dma_start3A_173 = tpu.memref_slice %arg2[%add3A_51] : memref<320000xi32, #tpu.memory_space<hbm>> -> memref<4000xi32, #tpu.memory_space<hbm>>
      tpu.enqueue_dma source(%dma_start3A_173 : memref<4000xi32, #tpu.memory_space<hbm>>) target(%dma_start3A_172 : memref<4000xi32, #tpu.memory_space<vmem>>) target_semaphore(%run_scoped3A : memref<!tpu.dma_semaphore, #tpu.memory_space<semaphore_mem>>)
      %dma_wait3A_174 = arith.constant 0 : i32
      %dma_wait3A_175 = tpu.memref_slice %arg9[%dma_wait3A_174] : memref<8000xi32, #tpu.memory_space<vmem>> -> memref<4000xi32, #tpu.memory_space<vmem>>
      %dma_wait3A_176 = tpu.memref_slice %arg2[%add3A_51] : memref<320000xi32, #tpu.memory_space<hbm>> -> memref<4000xi32, #tpu.memory_space<hbm>>
      %dma_wait3A_177 = arith.constant 0 : i32
      %dma_wait3A_178 = tpu.memref_slice %arg9[%dma_wait3A_177] : memref<8000xi32, #tpu.memory_space<vmem>> -> memref<4000xi32, #tpu.memory_space<vmem>>
      %dma_wait3A_179 = tpu.memref_slice %arg2[%add3A_51] : memref<320000xi32, #tpu.memory_space<hbm>> -> memref<4000xi32, #tpu.memory_space<hbm>>
      tpu.wait_dma2 semaphore(%run_scoped3A : memref<!tpu.dma_semaphore, #tpu.memory_space<semaphore_mem>>) src(%dma_wait3A_179 : memref<4000xi32, #tpu.memory_space<hbm>>) dst(%dma_wait3A_178 : memref<4000xi32, #tpu.memory_space<vmem>>)
      tpu.yield
    }) : () -> ()
    %add3A_52 = arith.addi %mul3A_12, %add3A_51 : i32
    "tpu.region"() ({
      %run_scoped3A = tpu.sem_alloc : memref<!tpu.dma_semaphore, #tpu.memory_space<semaphore_mem>>
      %dma_start3A_168 = arith.constant 0 : i32
      %dma_start3A_169 = tpu.memref_slice %arg10[%dma_start3A_168] : memref<8000xi32, #tpu.memory_space<vmem>> -> memref<4000xi32, #tpu.memory_space<vmem>>
      %dma_start3A_170 = tpu.memref_slice %arg3[%add3A_52] : memref<640000xi32, #tpu.memory_space<hbm>> -> memref<4000xi32, #tpu.memory_space<hbm>>
      %dma_start3A_171 = arith.constant 0 : i32
      %dma_start3A_172 = tpu.memref_slice %arg10[%dma_start3A_171] : memref<8000xi32, #tpu.memory_space<vmem>> -> memref<4000xi32, #tpu.memory_space<vmem>>
      %dma_start3A_173 = tpu.memref_slice %arg3[%add3A_52] : memref<640000xi32, #tpu.memory_space<hbm>> -> memref<4000xi32, #tpu.memory_space<hbm>>
      tpu.enqueue_dma source(%dma_start3A_173 : memref<4000xi32, #tpu.memory_space<hbm>>) target(%dma_start3A_172 : memref<4000xi32, #tpu.memory_space<vmem>>) target_semaphore(%run_scoped3A : memref<!tpu.dma_semaphore, #tpu.memory_space<semaphore_mem>>)
      %dma_wait3A_174 = arith.constant 0 : i32
      %dma_wait3A_175 = tpu.memref_slice %arg10[%dma_wait3A_174] : memref<8000xi32, #tpu.memory_space<vmem>> -> memref<4000xi32, #tpu.memory_space<vmem>>
      %dma_wait3A_176 = tpu.memref_slice %arg3[%add3A_52] : memref<640000xi32, #tpu.memory_space<hbm>> -> memref<4000xi32, #tpu.memory_space<hbm>>
      %dma_wait3A_177 = arith.constant 0 : i32
      %dma_wait3A_178 = tpu.memref_slice %arg10[%dma_wait3A_177] : memref<8000xi32, #tpu.memory_space<vmem>> -> memref<4000xi32, #tpu.memory_space<vmem>>
      %dma_wait3A_179 = tpu.memref_slice %arg3[%add3A_52] : memref<640000xi32, #tpu.memory_space<hbm>> -> memref<4000xi32, #tpu.memory_space<hbm>>
      tpu.wait_dma2 semaphore(%run_scoped3A : memref<!tpu.dma_semaphore, #tpu.memory_space<semaphore_mem>>) src(%dma_wait3A_179 : memref<4000xi32, #tpu.memory_space<hbm>>) dst(%dma_wait3A_178 : memref<4000xi32, #tpu.memory_space<vmem>>)
      tpu.yield
    }) : () -> ()
    %parallel_loop3A_53 = arith.constant 0 : i32
    %parallel_loop3A_54 = arith.constant 4000 : i32
    %parallel_loop3A_55 = arith.constant 16 : i32
    scf.for %parallel_loop3A_168 = %parallel_loop3A_53 to %parallel_loop3A_54 step %parallel_loop3A_55  : i32 {
      %parallel_loop3A_169 = arith.index_cast %parallel_loop3A_168 : i32 to index
      %parallel_loop3A_170 = tpu.vector_load %arg9[%parallel_loop3A_169] {strides = array<i32>} : memref<8000xi32, #tpu.memory_space<vmem>>, vector<16xi32>,
      %parallel_loop3A_171 = arith.constant 10240 : i32
      %parallel_loop3A_172 = vector.broadcast %parallel_loop3A_171 : i32 to vector<16xi32>
      %parallel_loop3A_173 = arith.muli %parallel_loop3A_170, %parallel_loop3A_172 : vector<16xi32>
      %parallel_loop3A_174 = arith.index_cast %parallel_loop3A_168 : i32 to index
      %parallel_loop3A_175 = tpu.vector_load %arg10[%parallel_loop3A_174] {strides = array<i32>} : memref<8000xi32, #tpu.memory_space<vmem>>, vector<16xi32>,
      %parallel_loop3A_176 = arith.addi %parallel_loop3A_173, %parallel_loop3A_175 : vector<16xi32>
      %parallel_loop3A_177 = arith.index_cast %parallel_loop3A_168 : i32 to index
      %parallel_loop3A_178 = tpu.vector_load %arg10[%parallel_loop3A_177] {strides = array<i32>} : memref<8000xi32, #tpu.memory_space<vmem>>, vector<16xi32>,
      tpu.vector_store %arg10[%parallel_loop3A_177], %parallel_loop3A_176 {strides = array<i32>} : memref<8000xi32, #tpu.memory_space<vmem>>, vector<16xi32>,
    } {sc.loop_unroll_factor = 8 : i64, sc.parallel_access}
    %add3A_56 = arith.addi %mul3A_12, %add3A_51 : i32
    "tpu.region"() ({
      %run_scoped3A = tpu.sem_alloc : memref<!tpu.dma_semaphore, #tpu.memory_space<semaphore_mem>>
      %dma_start3A_168 = arith.constant 0 : i32
      %dma_start3A_169 = tpu.memref_slice %arg10[%dma_start3A_168] : memref<8000xi32, #tpu.memory_space<vmem>> -> memref<4000xi32, #tpu.memory_space<vmem>>
      %dma_start3A_170 = tpu.memref_slice %arg6[%add3A_56] : memref<640000xi32, #tpu.memory_space<hbm>> -> memref<4000xi32, #tpu.memory_space<hbm>>
      %dma_start3A_171 = tpu.memref_slice %arg6[%add3A_56] : memref<640000xi32, #tpu.memory_space<hbm>> -> memref<4000xi32, #tpu.memory_space<hbm>>
      %dma_start3A_172 = arith.constant 0 : i32
      %dma_start3A_173 = tpu.memref_slice %arg10[%dma_start3A_172] : memref<8000xi32, #tpu.memory_space<vmem>> -> memref<4000xi32, #tpu.memory_space<vmem>>
      tpu.enqueue_dma source(%dma_start3A_173 : memref<4000xi32, #tpu.memory_space<vmem>>) target(%dma_start3A_171 : memref<4000xi32, #tpu.memory_space<hbm>>) target_semaphore(%run_scoped3A : memref<!tpu.dma_semaphore, #tpu.memory_space<semaphore_mem>>)
      %dma_wait3A_174 = arith.constant 0 : i32
      %dma_wait3A_175 = tpu.memref_slice %arg10[%dma_wait3A_174] : memref<8000xi32, #tpu.memory_space<vmem>> -> memref<4000xi32, #tpu.memory_space<vmem>>
      %dma_wait3A_176 = tpu.memref_slice %arg6[%add3A_56] : memref<640000xi32, #tpu.memory_space<hbm>> -> memref<4000xi32, #tpu.memory_space<hbm>>
      %dma_wait3A_177 = tpu.memref_slice %arg6[%add3A_56] : memref<640000xi32, #tpu.memory_space<hbm>> -> memref<4000xi32, #tpu.memory_space<hbm>>
      %dma_wait3A_178 = arith.constant 0 : i32
      %dma_wait3A_179 = tpu.memref_slice %arg10[%dma_wait3A_178] : memref<8000xi32, #tpu.memory_space<vmem>> -> memref<4000xi32, #tpu.memory_space<vmem>>
      tpu.wait_dma2 semaphore(%run_scoped3A : memref<!tpu.dma_semaphore, #tpu.memory_space<semaphore_mem>>) src(%dma_wait3A_179 : memref<4000xi32, #tpu.memory_space<vmem>>) dst(%dma_wait3A_177 : memref<4000xi32, #tpu.memory_space<hbm>>)
      tpu.yield
    }) : () -> ()
    %dma_wait3A = arith.constant 0 : i32
    %dma_wait3A_57 = tpu.memref_slice %arg12[%dma_wait3A] : memref<320xi32, #tpu.memory_space<vmem>> -> memref<160xi32, #tpu.memory_space<vmem>>
    %dma_wait3A_58 = arith.constant 0 : i32
    %dma_wait3A_59 = arith.constant 0 : i32
    %dma_wait3A_60 = tpu.memref_slice %arg4[%dma_wait3A_58, %dma_wait3A_59] : memref<100000x128xf32, #tpu.memory_space<hbm>> -> memref<100000x128xf32, #tpu.memory_space<hbm>>
    tpu.wait_indirect_dma semaphore(%arg16 : memref<!tpu.dma_semaphore, #tpu.memory_space<semaphore_mem>>) src(%dma_wait3A_60 : memref<100000x128xf32, #tpu.memory_space<hbm>>) dst(%arg13 : memref<160x128xf32, #tpu.memory_space<vmem>>)
    "tpu.region"() ({
      %run_scoped3A = tpu.sem_alloc : memref<!tpu.dma_semaphore, #tpu.memory_space<semaphore_mem>>
      %dma_start3A_168 = arith.constant 0 : i32
      %dma_start3A_169 = tpu.memref_slice %arg8[%mul3A_2, %dma_start3A_168] : memref<10240x128xf32, #tpu.memory_space<hbm>> -> memref<160x128xf32, #tpu.memory_space<hbm>>
      %dma_start3A_170 = arith.constant 0 : i32
      %dma_start3A_171 = tpu.memref_slice %arg8[%mul3A_2, %dma_start3A_170] : memref<10240x128xf32, #tpu.memory_space<hbm>> -> memref<160x128xf32, #tpu.memory_space<hbm>>
      tpu.enqueue_dma source(%arg13 : memref<160x128xf32, #tpu.memory_space<vmem>>) target(%dma_start3A_171 : memref<160x128xf32, #tpu.memory_space<hbm>>) target_semaphore(%run_scoped3A : memref<!tpu.dma_semaphore, #tpu.memory_space<semaphore_mem>>)
      %dma_wait3A_172 = arith.constant 0 : i32
      %dma_wait3A_173 = tpu.memref_slice %arg8[%mul3A_2, %dma_wait3A_172] : memref<10240x128xf32, #tpu.memory_space<hbm>> -> memref<160x128xf32, #tpu.memory_space<hbm>>
      %dma_wait3A_174 = arith.constant 0 : i32
      %dma_wait3A_175 = tpu.memref_slice %arg8[%mul3A_2, %dma_wait3A_174] : memref<10240x128xf32, #tpu.memory_space<hbm>> -> memref<160x128xf32, #tpu.memory_space<hbm>>
      tpu.wait_dma2 semaphore(%run_scoped3A : memref<!tpu.dma_semaphore, #tpu.memory_space<semaphore_mem>>) src(%arg13 : memref<160x128xf32, #tpu.memory_space<vmem>>) dst(%dma_wait3A_175 : memref<160x128xf32, #tpu.memory_space<hbm>>)
      tpu.yield
    }) : () -> ()
    %dma_start3A_61 = arith.constant 160 : i32
    %dma_start3A_62 = tpu.memref_slice %arg12[%dma_start3A_61] : memref<320xi32, #tpu.memory_space<vmem>> -> memref<160xi32, #tpu.memory_space<vmem>>
    %dma_start3A_63 = arith.constant 0 : i32
    %dma_start3A_64 = arith.constant 0 : i32
    %dma_start3A_65 = tpu.memref_slice %arg4[%dma_start3A_63, %dma_start3A_64] : memref<100000x128xf32, #tpu.memory_space<hbm>> -> memref<100000x128xf32, #tpu.memory_space<hbm>>
    tpu.enqueue_indirect_dma source(%dma_start3A_65 : memref<100000x128xf32, #tpu.memory_space<hbm>>) target(%arg13 : memref<160x128xf32, #tpu.memory_space<vmem>>) offsets(%dma_start3A_62 : memref<160xi32, #tpu.memory_space<vmem>>) semaphore(%arg16 : memref<!tpu.dma_semaphore, #tpu.memory_space<semaphore_mem>>)
    %barrier3A = arith.constant 0 : index
    tpu.barrier barrier_id(%barrier3A)
    %mul3A_66 = arith.constant 4 : i32
    %mul3A_67 = arith.muli %arg1, %mul3A_66 : i32
    %add3A_68 = arith.constant 0 : i32
    %add3A_69 = arith.addi %mul3A_67, %add3A_68 : i32
    %mul3A_70 = arith.constant 81920 : i32
    %mul3A_71 = arith.muli %add3A_69, %mul3A_70 : i32
    %parallel_loop3A_72 = arith.constant 0 : i32
    %parallel_loop3A_73 = arith.constant 81920 : i32
    %parallel_loop3A_74 = arith.constant 16 : i32
    scf.for %parallel_loop3A_168 = %parallel_loop3A_72 to %parallel_loop3A_73 step %parallel_loop3A_74  : i32 {
      %parallel_loop3A_169 = arith.constant 0.000000e+00 : f32
      %parallel_loop3A_170 = vector.broadcast %parallel_loop3A_169 : f32 to vector<16xf32>
      %parallel_loop3A_171 = arith.index_cast %parallel_loop3A_168 : i32 to index
      %parallel_loop3A_172 = tpu.vector_load %arg11[%parallel_loop3A_171] {strides = array<i32>} : memref<81936xf32, #tpu.memory_space<vmem>>, vector<16xf32>,
      tpu.vector_store %arg11[%parallel_loop3A_171], %parallel_loop3A_170 {strides = array<i32>} : memref<81936xf32, #tpu.memory_space<vmem>>, vector<16xf32>,
    } {sc.loop_unroll_factor = 8 : i64, sc.parallel_access}
    %dma_start3A_75 = tpu.memref_slice %arg6[%mul3A_12] : memref<640000xi32, #tpu.memory_space<hbm>> -> memref<8000xi32, #tpu.memory_space<hbm>>
    %dma_start3A_76 = tpu.memref_slice %arg6[%mul3A_12] : memref<640000xi32, #tpu.memory_space<hbm>> -> memref<8000xi32, #tpu.memory_space<hbm>>
    tpu.enqueue_dma source(%dma_start3A_76 : memref<8000xi32, #tpu.memory_space<hbm>>) target(%arg9 : memref<8000xi32, #tpu.memory_space<vmem>>) target_semaphore(%arg14 : memref<!tpu.dma_semaphore, #tpu.memory_space<semaphore_mem>>)
    %scan3A = arith.constant 0 : i32
    %scan3A_77 = arith.constant 0 : i32
    %scan3A_78 = arith.constant 20 : i32
    %scan3A_79 = arith.addi %scan3A_77, %scan3A_78 : i32
    %scan3A_80 = arith.constant 1 : i32
    scf.for %scan3A_168 = %scan3A_77 to %scan3A_79 step %scan3A_80  : i32 {
      %mul3A_169 = arith.constant 2 : i32
      %mul3A_170 = arith.muli %mul3A_169, %scan3A_168 : i32
      %add3A_171 = arith.constant 1 : i32
      %add3A_172 = arith.addi %mul3A_170, %add3A_171 : i32
      %mul3A_173 = arith.constant 8000 : i32
      %mul3A_174 = arith.muli %add3A_172, %mul3A_173 : i32
      %add3A_175 = arith.addi %mul3A_12, %mul3A_174 : i32
      %dma_start3A_176 = tpu.memref_slice %arg6[%add3A_175] : memref<640000xi32, #tpu.memory_space<hbm>> -> memref<8000xi32, #tpu.memory_space<hbm>>
      %dma_start3A_177 = tpu.memref_slice %arg6[%add3A_175] : memref<640000xi32, #tpu.memory_space<hbm>> -> memref<8000xi32, #tpu.memory_space<hbm>>
      tpu.enqueue_dma source(%dma_start3A_177 : memref<8000xi32, #tpu.memory_space<hbm>>) target(%arg10 : memref<8000xi32, #tpu.memory_space<vmem>>) target_semaphore(%arg15 : memref<!tpu.dma_semaphore, #tpu.memory_space<semaphore_mem>>)
      %dma_wait3A_178 = tpu.memref_slice %arg6[%mul3A_12] : memref<640000xi32, #tpu.memory_space<hbm>> -> memref<8000xi32, #tpu.memory_space<hbm>>
      %dma_wait3A_179 = tpu.memref_slice %arg6[%mul3A_12] : memref<640000xi32, #tpu.memory_space<hbm>> -> memref<8000xi32, #tpu.memory_space<hbm>>
      tpu.wait_dma2 semaphore(%arg14 : memref<!tpu.dma_semaphore, #tpu.memory_space<semaphore_mem>>) src(%dma_wait3A_179 : memref<8000xi32, #tpu.memory_space<hbm>>) dst(%arg9 : memref<8000xi32, #tpu.memory_space<vmem>>)
      %parallel_loop3A_180 = arith.constant 0 : i32
      %parallel_loop3A_181 = arith.constant 8000 : i32
      %parallel_loop3A_182 = arith.constant 16 : i32
      scf.for %parallel_loop3A_190 = %parallel_loop3A_180 to %parallel_loop3A_181 step %parallel_loop3A_182  : i32 {
        %parallel_loop3A_191 = arith.index_cast %parallel_loop3A_190 : i32 to index
        %parallel_loop3A_192 = tpu.vector_load %arg9[%parallel_loop3A_191] {strides = array<i32>} : memref<8000xi32, #tpu.memory_space<vmem>>, vector<16xi32>,
        %parallel_loop3A_193 = vector.broadcast %mul3A_71 : i32 to vector<16xi32>
        %parallel_loop3A_194 = arith.subi %parallel_loop3A_192, %parallel_loop3A_193 : vector<16xi32>
        %parallel_loop3A_195 = vector.bitcast %parallel_loop3A_194 : vector<16xi32> to vector<16xi32>
        %parallel_loop3A_196 = arith.minui %parallel_loop3A_195, %bitcast3A : vector<16xi32>
        %parallel_loop3A_197 = vector.bitcast %parallel_loop3A_196 : vector<16xi32> to vector<16xi32>
        tpu.vector_store_idx %arg11[%parallel_loop3A_197], %broadcast_in_dim3A_7 {add = true} : memref<81936xf32, #tpu.memory_space<vmem>>[vector<16xi32>], vector<16xf32>,
      } {sc.loop_unroll_factor = 8 : i64, sc.parallel_access}
      %lt3A = arith.constant 19 : i32
      %lt3A_183 = arith.cmpi slt, %scan3A_168, %lt3A : i32
      %convert_element_type3A = arith.extui %lt3A_183 : i1 to i32
      %cond3A = arith.constant 0 : i32
      %cond3A_184 = arith.cmpi ne, %convert_element_type3A, %cond3A : i32
      scf.if %cond3A_184 {
        %mul3A_190 = arith.constant 2 : i32
        %mul3A_191 = arith.muli %mul3A_190, %scan3A_168 : i32
        %add3A_192 = arith.constant 2 : i32
        %add3A_193 = arith.addi %mul3A_191, %add3A_192 : i32
        %mul3A_194 = arith.constant 8000 : i32
        %mul3A_195 = arith.muli %add3A_193, %mul3A_194 : i32
        %add3A_196 = arith.addi %mul3A_12, %mul3A_195 : i32
        %dma_start3A_197 = tpu.memref_slice %arg6[%add3A_196] : memref<640000xi32, #tpu.memory_space<hbm>> -> memref<8000xi32, #tpu.memory_space<hbm>>
        %dma_start3A_198 = tpu.memref_slice %arg6[%add3A_196] : memref<640000xi32, #tpu.memory_space<hbm>> -> memref<8000xi32, #tpu.memory_space<hbm>>
        tpu.enqueue_dma source(%dma_start3A_198 : memref<8000xi32, #tpu.memory_space<hbm>>) target(%arg9 : memref<8000xi32, #tpu.memory_space<vmem>>) target_semaphore(%arg14 : memref<!tpu.dma_semaphore, #tpu.memory_space<semaphore_mem>>)
      } else {
      }
      %dma_wait3A_185 = tpu.memref_slice %arg6[%mul3A_12] : memref<640000xi32, #tpu.memory_space<hbm>> -> memref<8000xi32, #tpu.memory_space<hbm>>
      %dma_wait3A_186 = tpu.memref_slice %arg6[%mul3A_12] : memref<640000xi32, #tpu.memory_space<hbm>> -> memref<8000xi32, #tpu.memory_space<hbm>>
      tpu.wait_dma2 semaphore(%arg15 : memref<!tpu.dma_semaphore, #tpu.memory_space<semaphore_mem>>) src(%dma_wait3A_186 : memref<8000xi32, #tpu.memory_space<hbm>>) dst(%arg10 : memref<8000xi32, #tpu.memory_space<vmem>>)
      %parallel_loop3A_187 = arith.constant 0 : i32
      %parallel_loop3A_188 = arith.constant 8000 : i32
      %parallel_loop3A_189 = arith.constant 16 : i32
      scf.for %parallel_loop3A_190 = %parallel_loop3A_187 to %parallel_loop3A_188 step %parallel_loop3A_189  : i32 {
        %parallel_loop3A_191 = arith.index_cast %parallel_loop3A_190 : i32 to index
        %parallel_loop3A_192 = tpu.vector_load %arg10[%parallel_loop3A_191] {strides = array<i32>} : memref<8000xi32, #tpu.memory_space<vmem>>, vector<16xi32>,
        %parallel_loop3A_193 = vector.broadcast %mul3A_71 : i32 to vector<16xi32>
        %parallel_loop3A_194 = arith.subi %parallel_loop3A_192, %parallel_loop3A_193 : vector<16xi32>
        %parallel_loop3A_195 = vector.bitcast %parallel_loop3A_194 : vector<16xi32> to vector<16xi32>
        %parallel_loop3A_196 = arith.minui %parallel_loop3A_195, %bitcast3A : vector<16xi32>
        %parallel_loop3A_197 = vector.bitcast %parallel_loop3A_196 : vector<16xi32> to vector<16xi32>
        tpu.vector_store_idx %arg11[%parallel_loop3A_197], %broadcast_in_dim3A_7 {add = true} : memref<81936xf32, #tpu.memory_space<vmem>>[vector<16xi32>], vector<16xf32>,
      } {sc.loop_unroll_factor = 8 : i64, sc.parallel_access}
    }
    %scan3A_81 = arith.constant 20 : i32
    %mul3A_82 = arith.constant 512 : i32
    %mul3A_83 = arith.muli %arg0, %mul3A_82 : i32
    %mul3A_84 = arith.constant 8 : i32
    %mul3A_85 = arith.muli %add3A_69, %mul3A_84 : i32
    %add3A_86 = arith.addi %mul3A_83, %mul3A_85 : i32
    %mul3A_87 = arith.constant 10240 : i32
    %mul3A_88 = arith.muli %add3A_86, %mul3A_87 : i32
    "tpu.region"() ({
      %run_scoped3A = tpu.sem_alloc : memref<!tpu.dma_semaphore, #tpu.memory_space<semaphore_mem>>
      %dma_start3A_168 = arith.constant 0 : i32
      %dma_start3A_169 = tpu.memref_slice %arg11[%dma_start3A_168] : memref<81936xf32, #tpu.memory_space<vmem>> -> memref<81920xf32, #tpu.memory_space<vmem>>
      %dma_start3A_170 = tpu.memref_slice %arg7[%mul3A_88] : memref<10485760xf32, #tpu.memory_space<hbm>> -> memref<81920xf32, #tpu.memory_space<hbm>>
      %dma_start3A_171 = tpu.memref_slice %arg7[%mul3A_88] : memref<10485760xf32, #tpu.memory_space<hbm>> -> memref<81920xf32, #tpu.memory_space<hbm>>
      %dma_start3A_172 = arith.constant 0 : i32
      %dma_start3A_173 = tpu.memref_slice %arg11[%dma_start3A_172] : memref<81936xf32, #tpu.memory_space<vmem>> -> memref<81920xf32, #tpu.memory_space<vmem>>
      tpu.enqueue_dma source(%dma_start3A_173 : memref<81920xf32, #tpu.memory_space<vmem>>) target(%dma_start3A_171 : memref<81920xf32, #tpu.memory_space<hbm>>) target_semaphore(%run_scoped3A : memref<!tpu.dma_semaphore, #tpu.memory_space<semaphore_mem>>)
      %dma_wait3A_174 = arith.constant 0 : i32
      %dma_wait3A_175 = tpu.memref_slice %arg11[%dma_wait3A_174] : memref<81936xf32, #tpu.memory_space<vmem>> -> memref<81920xf32, #tpu.memory_space<vmem>>
      %dma_wait3A_176 = tpu.memref_slice %arg7[%mul3A_88] : memref<10485760xf32, #tpu.memory_space<hbm>> -> memref<81920xf32, #tpu.memory_space<hbm>>
      %dma_wait3A_177 = tpu.memref_slice %arg7[%mul3A_88] : memref<10485760xf32, #tpu.memory_space<hbm>> -> memref<81920xf32, #tpu.memory_space<hbm>>
      %dma_wait3A_178 = arith.constant 0 : i32
      %dma_wait3A_179 = tpu.memref_slice %arg11[%dma_wait3A_178] : memref<81936xf32, #tpu.memory_space<vmem>> -> memref<81920xf32, #tpu.memory_space<vmem>>
      tpu.wait_dma2 semaphore(%run_scoped3A : memref<!tpu.dma_semaphore, #tpu.memory_space<semaphore_mem>>) src(%dma_wait3A_179 : memref<81920xf32, #tpu.memory_space<vmem>>) dst(%dma_wait3A_177 : memref<81920xf32, #tpu.memory_space<hbm>>)
      tpu.yield
    }) : () -> ()
    %dma_wait3A_89 = arith.constant 160 : i32
    %dma_wait3A_90 = tpu.memref_slice %arg12[%dma_wait3A_89] : memref<320xi32, #tpu.memory_space<vmem>> -> memref<160xi32, #tpu.memory_space<vmem>>
    %dma_wait3A_91 = arith.constant 0 : i32
    %dma_wait3A_92 = arith.constant 0 : i32
    %dma_wait3A_93 = tpu.memref_slice %arg4[%dma_wait3A_91, %dma_wait3A_92] : memref<100000x128xf32, #tpu.memory_space<hbm>> -> memref<100000x128xf32, #tpu.memory_space<hbm>>
    tpu.wait_indirect_dma semaphore(%arg16 : memref<!tpu.dma_semaphore, #tpu.memory_space<semaphore_mem>>) src(%dma_wait3A_93 : memref<100000x128xf32, #tpu.memory_space<hbm>>) dst(%arg13 : memref<160x128xf32, #tpu.memory_space<vmem>>)
    %add3A_94 = arith.constant 160 : i32
    %add3A_95 = arith.addi %mul3A_2, %add3A_94 : i32
    "tpu.region"() ({
      %run_scoped3A = tpu.sem_alloc : memref<!tpu.dma_semaphore, #tpu.memory_space<semaphore_mem>>
      %dma_start3A_168 = arith.constant 0 : i32
      %dma_start3A_169 = tpu.memref_slice %arg8[%add3A_95, %dma_start3A_168] : memref<10240x128xf32, #tpu.memory_space<hbm>> -> memref<160x128xf32, #tpu.memory_space<hbm>>
      %dma_start3A_170 = arith.constant 0 : i32
      %dma_start3A_171 = tpu.memref_slice %arg8[%add3A_95, %dma_start3A_170] : memref<10240x128xf32, #tpu.memory_space<hbm>> -> memref<160x128xf32, #tpu.memory_space<hbm>>
      tpu.enqueue_dma source(%arg13 : memref<160x128xf32, #tpu.memory_space<vmem>>) target(%dma_start3A_171 : memref<160x128xf32, #tpu.memory_space<hbm>>) target_semaphore(%run_scoped3A : memref<!tpu.dma_semaphore, #tpu.memory_space<semaphore_mem>>)
      %dma_wait3A_172 = arith.constant 0 : i32
      %dma_wait3A_173 = tpu.memref_slice %arg8[%add3A_95, %dma_wait3A_172] : memref<10240x128xf32, #tpu.memory_space<hbm>> -> memref<160x128xf32, #tpu.memory_space<hbm>>
      %dma_wait3A_174 = arith.constant 0 : i32
      %dma_wait3A_175 = tpu.memref_slice %arg8[%add3A_95, %dma_wait3A_174] : memref<10240x128xf32, #tpu.memory_space<hbm>> -> memref<160x128xf32, #tpu.memory_space<hbm>>
      tpu.wait_dma2 semaphore(%run_scoped3A : memref<!tpu.dma_semaphore, #tpu.memory_space<semaphore_mem>>) src(%arg13 : memref<160x128xf32, #tpu.memory_space<vmem>>) dst(%dma_wait3A_175 : memref<160x128xf32, #tpu.memory_space<hbm>>)
      tpu.yield
    }) : () -> ()
    %mul3A_96 = arith.constant 4 : i32
    %mul3A_97 = arith.muli %arg1, %mul3A_96 : i32
    %add3A_98 = arith.constant 1 : i32
    %add3A_99 = arith.addi %mul3A_97, %add3A_98 : i32
    %mul3A_100 = arith.constant 81920 : i32
    %mul3A_101 = arith.muli %add3A_99, %mul3A_100 : i32
    %parallel_loop3A_102 = arith.constant 0 : i32
    %parallel_loop3A_103 = arith.constant 81920 : i32
    %parallel_loop3A_104 = arith.constant 16 : i32
    scf.for %parallel_loop3A_168 = %parallel_loop3A_102 to %parallel_loop3A_103 step %parallel_loop3A_104  : i32 {
      %parallel_loop3A_169 = arith.constant 0.000000e+00 : f32
      %parallel_loop3A_170 = vector.broadcast %parallel_loop3A_169 : f32 to vector<16xf32>
      %parallel_loop3A_171 = arith.index_cast %parallel_loop3A_168 : i32 to index
      %parallel_loop3A_172 = tpu.vector_load %arg11[%parallel_loop3A_171] {strides = array<i32>} : memref<81936xf32, #tpu.memory_space<vmem>>, vector<16xf32>,
      tpu.vector_store %arg11[%parallel_loop3A_171], %parallel_loop3A_170 {strides = array<i32>} : memref<81936xf32, #tpu.memory_space<vmem>>, vector<16xf32>,
    } {sc.loop_unroll_factor = 8 : i64, sc.parallel_access}
    %dma_start3A_105 = tpu.memref_slice %arg6[%mul3A_12] : memref<640000xi32, #tpu.memory_space<hbm>> -> memref<8000xi32, #tpu.memory_space<hbm>>
    %dma_start3A_106 = tpu.memref_slice %arg6[%mul3A_12] : memref<640000xi32, #tpu.memory_space<hbm>> -> memref<8000xi32, #tpu.memory_space<hbm>>
    tpu.enqueue_dma source(%dma_start3A_106 : memref<8000xi32, #tpu.memory_space<hbm>>) target(%arg9 : memref<8000xi32, #tpu.memory_space<vmem>>) target_semaphore(%arg14 : memref<!tpu.dma_semaphore, #tpu.memory_space<semaphore_mem>>)
    %scan3A_107 = arith.constant 0 : i32
    %scan3A_108 = arith.constant 0 : i32
    %scan3A_109 = arith.constant 20 : i32
    %scan3A_110 = arith.addi %scan3A_108, %scan3A_109 : i32
    %scan3A_111 = arith.constant 1 : i32
    scf.for %scan3A_168 = %scan3A_108 to %scan3A_110 step %scan3A_111  : i32 {
      %mul3A_169 = arith.constant 2 : i32
      %mul3A_170 = arith.muli %mul3A_169, %scan3A_168 : i32
      %add3A_171 = arith.constant 1 : i32
      %add3A_172 = arith.addi %mul3A_170, %add3A_171 : i32
      %mul3A_173 = arith.constant 8000 : i32
      %mul3A_174 = arith.muli %add3A_172, %mul3A_173 : i32
      %add3A_175 = arith.addi %mul3A_12, %mul3A_174 : i32
      %dma_start3A_176 = tpu.memref_slice %arg6[%add3A_175] : memref<640000xi32, #tpu.memory_space<hbm>> -> memref<8000xi32, #tpu.memory_space<hbm>>
      %dma_start3A_177 = tpu.memref_slice %arg6[%add3A_175] : memref<640000xi32, #tpu.memory_space<hbm>> -> memref<8000xi32, #tpu.memory_space<hbm>>
      tpu.enqueue_dma source(%dma_start3A_177 : memref<8000xi32, #tpu.memory_space<hbm>>) target(%arg10 : memref<8000xi32, #tpu.memory_space<vmem>>) target_semaphore(%arg15 : memref<!tpu.dma_semaphore, #tpu.memory_space<semaphore_mem>>)
      %dma_wait3A_178 = tpu.memref_slice %arg6[%mul3A_12] : memref<640000xi32, #tpu.memory_space<hbm>> -> memref<8000xi32, #tpu.memory_space<hbm>>
      %dma_wait3A_179 = tpu.memref_slice %arg6[%mul3A_12] : memref<640000xi32, #tpu.memory_space<hbm>> -> memref<8000xi32, #tpu.memory_space<hbm>>
      tpu.wait_dma2 semaphore(%arg14 : memref<!tpu.dma_semaphore, #tpu.memory_space<semaphore_mem>>) src(%dma_wait3A_179 : memref<8000xi32, #tpu.memory_space<hbm>>) dst(%arg9 : memref<8000xi32, #tpu.memory_space<vmem>>)
      %parallel_loop3A_180 = arith.constant 0 : i32
      %parallel_loop3A_181 = arith.constant 8000 : i32
      %parallel_loop3A_182 = arith.constant 16 : i32
      scf.for %parallel_loop3A_190 = %parallel_loop3A_180 to %parallel_loop3A_181 step %parallel_loop3A_182  : i32 {
        %parallel_loop3A_191 = arith.index_cast %parallel_loop3A_190 : i32 to index
        %parallel_loop3A_192 = tpu.vector_load %arg9[%parallel_loop3A_191] {strides = array<i32>} : memref<8000xi32, #tpu.memory_space<vmem>>, vector<16xi32>,
        %parallel_loop3A_193 = vector.broadcast %mul3A_101 : i32 to vector<16xi32>
        %parallel_loop3A_194 = arith.subi %parallel_loop3A_192, %parallel_loop3A_193 : vector<16xi32>
        %parallel_loop3A_195 = vector.bitcast %parallel_loop3A_194 : vector<16xi32> to vector<16xi32>
        %parallel_loop3A_196 = arith.minui %parallel_loop3A_195, %bitcast3A : vector<16xi32>
        %parallel_loop3A_197 = vector.bitcast %parallel_loop3A_196 : vector<16xi32> to vector<16xi32>
        tpu.vector_store_idx %arg11[%parallel_loop3A_197], %broadcast_in_dim3A_7 {add = true} : memref<81936xf32, #tpu.memory_space<vmem>>[vector<16xi32>], vector<16xf32>,
      } {sc.loop_unroll_factor = 8 : i64, sc.parallel_access}
      %lt3A = arith.constant 19 : i32
      %lt3A_183 = arith.cmpi slt, %scan3A_168, %lt3A : i32
      %convert_element_type3A = arith.extui %lt3A_183 : i1 to i32
      %cond3A = arith.constant 0 : i32
      %cond3A_184 = arith.cmpi ne, %convert_element_type3A, %cond3A : i32
      scf.if %cond3A_184 {
        %mul3A_190 = arith.constant 2 : i32
        %mul3A_191 = arith.muli %mul3A_190, %scan3A_168 : i32
        %add3A_192 = arith.constant 2 : i32
        %add3A_193 = arith.addi %mul3A_191, %add3A_192 : i32
        %mul3A_194 = arith.constant 8000 : i32
        %mul3A_195 = arith.muli %add3A_193, %mul3A_194 : i32
        %add3A_196 = arith.addi %mul3A_12, %mul3A_195 : i32
        %dma_start3A_197 = tpu.memref_slice %arg6[%add3A_196] : memref<640000xi32, #tpu.memory_space<hbm>> -> memref<8000xi32, #tpu.memory_space<hbm>>
        %dma_start3A_198 = tpu.memref_slice %arg6[%add3A_196] : memref<640000xi32, #tpu.memory_space<hbm>> -> memref<8000xi32, #tpu.memory_space<hbm>>
        tpu.enqueue_dma source(%dma_start3A_198 : memref<8000xi32, #tpu.memory_space<hbm>>) target(%arg9 : memref<8000xi32, #tpu.memory_space<vmem>>) target_semaphore(%arg14 : memref<!tpu.dma_semaphore, #tpu.memory_space<semaphore_mem>>)
      } else {
      }
      %dma_wait3A_185 = tpu.memref_slice %arg6[%mul3A_12] : memref<640000xi32, #tpu.memory_space<hbm>> -> memref<8000xi32, #tpu.memory_space<hbm>>
      %dma_wait3A_186 = tpu.memref_slice %arg6[%mul3A_12] : memref<640000xi32, #tpu.memory_space<hbm>> -> memref<8000xi32, #tpu.memory_space<hbm>>
      tpu.wait_dma2 semaphore(%arg15 : memref<!tpu.dma_semaphore, #tpu.memory_space<semaphore_mem>>) src(%dma_wait3A_186 : memref<8000xi32, #tpu.memory_space<hbm>>) dst(%arg10 : memref<8000xi32, #tpu.memory_space<vmem>>)
      %parallel_loop3A_187 = arith.constant 0 : i32
      %parallel_loop3A_188 = arith.constant 8000 : i32
      %parallel_loop3A_189 = arith.constant 16 : i32
      scf.for %parallel_loop3A_190 = %parallel_loop3A_187 to %parallel_loop3A_188 step %parallel_loop3A_189  : i32 {
        %parallel_loop3A_191 = arith.index_cast %parallel_loop3A_190 : i32 to index
        %parallel_loop3A_192 = tpu.vector_load %arg10[%parallel_loop3A_191] {strides = array<i32>} : memref<8000xi32, #tpu.memory_space<vmem>>, vector<16xi32>,
        %parallel_loop3A_193 = vector.broadcast %mul3A_101 : i32 to vector<16xi32>
        %parallel_loop3A_194 = arith.subi %parallel_loop3A_192, %parallel_loop3A_193 : vector<16xi32>
        %parallel_loop3A_195 = vector.bitcast %parallel_loop3A_194 : vector<16xi32> to vector<16xi32>
        %parallel_loop3A_196 = arith.minui %parallel_loop3A_195, %bitcast3A : vector<16xi32>
        %parallel_loop3A_197 = vector.bitcast %parallel_loop3A_196 : vector<16xi32> to vector<16xi32>
        tpu.vector_store_idx %arg11[%parallel_loop3A_197], %broadcast_in_dim3A_7 {add = true} : memref<81936xf32, #tpu.memory_space<vmem>>[vector<16xi32>], vector<16xf32>,
      } {sc.loop_unroll_factor = 8 : i64, sc.parallel_access}
    }
    %scan3A_112 = arith.constant 20 : i32
    %mul3A_113 = arith.constant 512 : i32
    %mul3A_114 = arith.muli %arg0, %mul3A_113 : i32
    %mul3A_115 = arith.constant 8 : i32
    %mul3A_116 = arith.muli %add3A_99, %mul3A_115 : i32
    %add3A_117 = arith.addi %mul3A_114, %mul3A_116 : i32
    %mul3A_118 = arith.constant 10240 : i32
    %mul3A_119 = arith.muli %add3A_117, %mul3A_118 : i32
    "tpu.region"() ({
      %run_scoped3A = tpu.sem_alloc : memref<!tpu.dma_semaphore, #tpu.memory_space<semaphore_mem>>
      %dma_start3A_168 = arith.constant 0 : i32
      %dma_start3A_169 = tpu.memref_slice %arg11[%dma_start3A_168] : memref<81936xf32, #tpu.memory_space<vmem>> -> memref<81920xf32, #tpu.memory_space<vmem>>
      %dma_start3A_170 = tpu.memref_slice %arg7[%mul3A_119] : memref<10485760xf32, #tpu.memory_space<hbm>> -> memref<81920xf32, #tpu.memory_space<hbm>>
      %dma_start3A_171 = tpu.memref_slice %arg7[%mul3A_119] : memref<10485760xf32, #tpu.memory_space<hbm>> -> memref<81920xf32, #tpu.memory_space<hbm>>
      %dma_start3A_172 = arith.constant 0 : i32
      %dma_start3A_173 = tpu.memref_slice %arg11[%dma_start3A_172] : memref<81936xf32, #tpu.memory_space<vmem>> -> memref<81920xf32, #tpu.memory_space<vmem>>
      tpu.enqueue_dma source(%dma_start3A_173 : memref<81920xf32, #tpu.memory_space<vmem>>) target(%dma_start3A_171 : memref<81920xf32, #tpu.memory_space<hbm>>) target_semaphore(%run_scoped3A : memref<!tpu.dma_semaphore, #tpu.memory_space<semaphore_mem>>)
      %dma_wait3A_174 = arith.constant 0 : i32
      %dma_wait3A_175 = tpu.memref_slice %arg11[%dma_wait3A_174] : memref<81936xf32, #tpu.memory_space<vmem>> -> memref<81920xf32, #tpu.memory_space<vmem>>
      %dma_wait3A_176 = tpu.memref_slice %arg7[%mul3A_119] : memref<10485760xf32, #tpu.memory_space<hbm>> -> memref<81920xf32, #tpu.memory_space<hbm>>
      %dma_wait3A_177 = tpu.memref_slice %arg7[%mul3A_119] : memref<10485760xf32, #tpu.memory_space<hbm>> -> memref<81920xf32, #tpu.memory_space<hbm>>
      %dma_wait3A_178 = arith.constant 0 : i32
      %dma_wait3A_179 = tpu.memref_slice %arg11[%dma_wait3A_178] : memref<81936xf32, #tpu.memory_space<vmem>> -> memref<81920xf32, #tpu.memory_space<vmem>>
      tpu.wait_dma2 semaphore(%run_scoped3A : memref<!tpu.dma_semaphore, #tpu.memory_space<semaphore_mem>>) src(%dma_wait3A_179 : memref<81920xf32, #tpu.memory_space<vmem>>) dst(%dma_wait3A_177 : memref<81920xf32, #tpu.memory_space<hbm>>)
      tpu.yield
    }) : () -> ()
    %mul3A_120 = arith.constant 4 : i32
    %mul3A_121 = arith.muli %arg1, %mul3A_120 : i32
    %add3A_122 = arith.constant 2 : i32
    %add3A_123 = arith.addi %mul3A_121, %add3A_122 : i32
    %mul3A_124 = arith.constant 81920 : i32
    %mul3A_125 = arith.muli %add3A_123, %mul3A_124 : i32
    %parallel_loop3A_126 = arith.constant 0 : i32
    %parallel_loop3A_127 = arith.constant 81920 : i32
    %parallel_loop3A_128 = arith.constant 16 : i32
    scf.for %parallel_loop3A_168 = %parallel_loop3A_126 to %parallel_loop3A_127 step %parallel_loop3A_128  : i32 {
      %parallel_loop3A_169 = arith.constant 0.000000e+00 : f32
      %parallel_loop3A_170 = vector.broadcast %parallel_loop3A_169 : f32 to vector<16xf32>
      %parallel_loop3A_171 = arith.index_cast %parallel_loop3A_168 : i32 to index
      %parallel_loop3A_172 = tpu.vector_load %arg11[%parallel_loop3A_171] {strides = array<i32>} : memref<81936xf32, #tpu.memory_space<vmem>>, vector<16xf32>,
      tpu.vector_store %arg11[%parallel_loop3A_171], %parallel_loop3A_170 {strides = array<i32>} : memref<81936xf32, #tpu.memory_space<vmem>>, vector<16xf32>,
    } {sc.loop_unroll_factor = 8 : i64, sc.parallel_access}
    %dma_start3A_129 = tpu.memref_slice %arg6[%mul3A_12] : memref<640000xi32, #tpu.memory_space<hbm>> -> memref<8000xi32, #tpu.memory_space<hbm>>
    %dma_start3A_130 = tpu.memref_slice %arg6[%mul3A_12] : memref<640000xi32, #tpu.memory_space<hbm>> -> memref<8000xi32, #tpu.memory_space<hbm>>
    tpu.enqueue_dma source(%dma_start3A_130 : memref<8000xi32, #tpu.memory_space<hbm>>) target(%arg9 : memref<8000xi32, #tpu.memory_space<vmem>>) target_semaphore(%arg14 : memref<!tpu.dma_semaphore, #tpu.memory_space<semaphore_mem>>)
    %scan3A_131 = arith.constant 0 : i32
    %scan3A_132 = arith.constant 0 : i32
    %scan3A_133 = arith.constant 20 : i32
    %scan3A_134 = arith.addi %scan3A_132, %scan3A_133 : i32
    %scan3A_135 = arith.constant 1 : i32
    scf.for %scan3A_168 = %scan3A_132 to %scan3A_134 step %scan3A_135  : i32 {
      %mul3A_169 = arith.constant 2 : i32
      %mul3A_170 = arith.muli %mul3A_169, %scan3A_168 : i32
      %add3A_171 = arith.constant 1 : i32
      %add3A_172 = arith.addi %mul3A_170, %add3A_171 : i32
      %mul3A_173 = arith.constant 8000 : i32
      %mul3A_174 = arith.muli %add3A_172, %mul3A_173 : i32
      %add3A_175 = arith.addi %mul3A_12, %mul3A_174 : i32
      %dma_start3A_176 = tpu.memref_slice %arg6[%add3A_175] : memref<640000xi32, #tpu.memory_space<hbm>> -> memref<8000xi32, #tpu.memory_space<hbm>>
      %dma_start3A_177 = tpu.memref_slice %arg6[%add3A_175] : memref<640000xi32, #tpu.memory_space<hbm>> -> memref<8000xi32, #tpu.memory_space<hbm>>
      tpu.enqueue_dma source(%dma_start3A_177 : memref<8000xi32, #tpu.memory_space<hbm>>) target(%arg10 : memref<8000xi32, #tpu.memory_space<vmem>>) target_semaphore(%arg15 : memref<!tpu.dma_semaphore, #tpu.memory_space<semaphore_mem>>)
      %dma_wait3A_178 = tpu.memref_slice %arg6[%mul3A_12] : memref<640000xi32, #tpu.memory_space<hbm>> -> memref<8000xi32, #tpu.memory_space<hbm>>
      %dma_wait3A_179 = tpu.memref_slice %arg6[%mul3A_12] : memref<640000xi32, #tpu.memory_space<hbm>> -> memref<8000xi32, #tpu.memory_space<hbm>>
      tpu.wait_dma2 semaphore(%arg14 : memref<!tpu.dma_semaphore, #tpu.memory_space<semaphore_mem>>) src(%dma_wait3A_179 : memref<8000xi32, #tpu.memory_space<hbm>>) dst(%arg9 : memref<8000xi32, #tpu.memory_space<vmem>>)
      %parallel_loop3A_180 = arith.constant 0 : i32
      %parallel_loop3A_181 = arith.constant 8000 : i32
      %parallel_loop3A_182 = arith.constant 16 : i32
      scf.for %parallel_loop3A_190 = %parallel_loop3A_180 to %parallel_loop3A_181 step %parallel_loop3A_182  : i32 {
        %parallel_loop3A_191 = arith.index_cast %parallel_loop3A_190 : i32 to index
        %parallel_loop3A_192 = tpu.vector_load %arg9[%parallel_loop3A_191] {strides = array<i32>} : memref<8000xi32, #tpu.memory_space<vmem>>, vector<16xi32>,
        %parallel_loop3A_193 = vector.broadcast %mul3A_125 : i32 to vector<16xi32>
        %parallel_loop3A_194 = arith.subi %parallel_loop3A_192, %parallel_loop3A_193 : vector<16xi32>
        %parallel_loop3A_195 = vector.bitcast %parallel_loop3A_194 : vector<16xi32> to vector<16xi32>
        %parallel_loop3A_196 = arith.minui %parallel_loop3A_195, %bitcast3A : vector<16xi32>
        %parallel_loop3A_197 = vector.bitcast %parallel_loop3A_196 : vector<16xi32> to vector<16xi32>
        tpu.vector_store_idx %arg11[%parallel_loop3A_197], %broadcast_in_dim3A_7 {add = true} : memref<81936xf32, #tpu.memory_space<vmem>>[vector<16xi32>], vector<16xf32>,
      } {sc.loop_unroll_factor = 8 : i64, sc.parallel_access}
      %lt3A = arith.constant 19 : i32
      %lt3A_183 = arith.cmpi slt, %scan3A_168, %lt3A : i32
      %convert_element_type3A = arith.extui %lt3A_183 : i1 to i32
      %cond3A = arith.constant 0 : i32
      %cond3A_184 = arith.cmpi ne, %convert_element_type3A, %cond3A : i32
      scf.if %cond3A_184 {
        %mul3A_190 = arith.constant 2 : i32
        %mul3A_191 = arith.muli %mul3A_190, %scan3A_168 : i32
        %add3A_192 = arith.constant 2 : i32
        %add3A_193 = arith.addi %mul3A_191, %add3A_192 : i32
        %mul3A_194 = arith.constant 8000 : i32
        %mul3A_195 = arith.muli %add3A_193, %mul3A_194 : i32
        %add3A_196 = arith.addi %mul3A_12, %mul3A_195 : i32
        %dma_start3A_197 = tpu.memref_slice %arg6[%add3A_196] : memref<640000xi32, #tpu.memory_space<hbm>> -> memref<8000xi32, #tpu.memory_space<hbm>>
        %dma_start3A_198 = tpu.memref_slice %arg6[%add3A_196] : memref<640000xi32, #tpu.memory_space<hbm>> -> memref<8000xi32, #tpu.memory_space<hbm>>
        tpu.enqueue_dma source(%dma_start3A_198 : memref<8000xi32, #tpu.memory_space<hbm>>) target(%arg9 : memref<8000xi32, #tpu.memory_space<vmem>>) target_semaphore(%arg14 : memref<!tpu.dma_semaphore, #tpu.memory_space<semaphore_mem>>)
      } else {
      }
      %dma_wait3A_185 = tpu.memref_slice %arg6[%mul3A_12] : memref<640000xi32, #tpu.memory_space<hbm>> -> memref<8000xi32, #tpu.memory_space<hbm>>
      %dma_wait3A_186 = tpu.memref_slice %arg6[%mul3A_12] : memref<640000xi32, #tpu.memory_space<hbm>> -> memref<8000xi32, #tpu.memory_space<hbm>>
      tpu.wait_dma2 semaphore(%arg15 : memref<!tpu.dma_semaphore, #tpu.memory_space<semaphore_mem>>) src(%dma_wait3A_186 : memref<8000xi32, #tpu.memory_space<hbm>>) dst(%arg10 : memref<8000xi32, #tpu.memory_space<vmem>>)
      %parallel_loop3A_187 = arith.constant 0 : i32
      %parallel_loop3A_188 = arith.constant 8000 : i32
      %parallel_loop3A_189 = arith.constant 16 : i32
      scf.for %parallel_loop3A_190 = %parallel_loop3A_187 to %parallel_loop3A_188 step %parallel_loop3A_189  : i32 {
        %parallel_loop3A_191 = arith.index_cast %parallel_loop3A_190 : i32 to index
        %parallel_loop3A_192 = tpu.vector_load %arg10[%parallel_loop3A_191] {strides = array<i32>} : memref<8000xi32, #tpu.memory_space<vmem>>, vector<16xi32>,
        %parallel_loop3A_193 = vector.broadcast %mul3A_125 : i32 to vector<16xi32>
        %parallel_loop3A_194 = arith.subi %parallel_loop3A_192, %parallel_loop3A_193 : vector<16xi32>
        %parallel_loop3A_195 = vector.bitcast %parallel_loop3A_194 : vector<16xi32> to vector<16xi32>
        %parallel_loop3A_196 = arith.minui %parallel_loop3A_195, %bitcast3A : vector<16xi32>
        %parallel_loop3A_197 = vector.bitcast %parallel_loop3A_196 : vector<16xi32> to vector<16xi32>
        tpu.vector_store_idx %arg11[%parallel_loop3A_197], %broadcast_in_dim3A_7 {add = true} : memref<81936xf32, #tpu.memory_space<vmem>>[vector<16xi32>], vector<16xf32>,
      } {sc.loop_unroll_factor = 8 : i64, sc.parallel_access}
    }
    %scan3A_136 = arith.constant 20 : i32
    %mul3A_137 = arith.constant 512 : i32
    %mul3A_138 = arith.muli %arg0, %mul3A_137 : i32
    %mul3A_139 = arith.constant 8 : i32
    %mul3A_140 = arith.muli %add3A_123, %mul3A_139 : i32
    %add3A_141 = arith.addi %mul3A_138, %mul3A_140 : i32
    %mul3A_142 = arith.constant 10240 : i32
    %mul3A_143 = arith.muli %add3A_141, %mul3A_142 : i32
    "tpu.region"() ({
      %run_scoped3A = tpu.sem_alloc : memref<!tpu.dma_semaphore, #tpu.memory_space<semaphore_mem>>
      %dma_start3A_168 = arith.constant 0 : i32
      %dma_start3A_169 = tpu.memref_slice %arg11[%dma_start3A_168] : memref<81936xf32, #tpu.memory_space<vmem>> -> memref<81920xf32, #tpu.memory_space<vmem>>
      %dma_start3A_170 = tpu.memref_slice %arg7[%mul3A_143] : memref<10485760xf32, #tpu.memory_space<hbm>> -> memref<81920xf32, #tpu.memory_space<hbm>>
      %dma_start3A_171 = tpu.memref_slice %arg7[%mul3A_143] : memref<10485760xf32, #tpu.memory_space<hbm>> -> memref<81920xf32, #tpu.memory_space<hbm>>
      %dma_start3A_172 = arith.constant 0 : i32
      %dma_start3A_173 = tpu.memref_slice %arg11[%dma_start3A_172] : memref<81936xf32, #tpu.memory_space<vmem>> -> memref<81920xf32, #tpu.memory_space<vmem>>
      tpu.enqueue_dma source(%dma_start3A_173 : memref<81920xf32, #tpu.memory_space<vmem>>) target(%dma_start3A_171 : memref<81920xf32, #tpu.memory_space<hbm>>) target_semaphore(%run_scoped3A : memref<!tpu.dma_semaphore, #tpu.memory_space<semaphore_mem>>)
      %dma_wait3A_174 = arith.constant 0 : i32
      %dma_wait3A_175 = tpu.memref_slice %arg11[%dma_wait3A_174] : memref<81936xf32, #tpu.memory_space<vmem>> -> memref<81920xf32, #tpu.memory_space<vmem>>
      %dma_wait3A_176 = tpu.memref_slice %arg7[%mul3A_143] : memref<10485760xf32, #tpu.memory_space<hbm>> -> memref<81920xf32, #tpu.memory_space<hbm>>
      %dma_wait3A_177 = tpu.memref_slice %arg7[%mul3A_143] : memref<10485760xf32, #tpu.memory_space<hbm>> -> memref<81920xf32, #tpu.memory_space<hbm>>
      %dma_wait3A_178 = arith.constant 0 : i32
      %dma_wait3A_179 = tpu.memref_slice %arg11[%dma_wait3A_178] : memref<81936xf32, #tpu.memory_space<vmem>> -> memref<81920xf32, #tpu.memory_space<vmem>>
      tpu.wait_dma2 semaphore(%run_scoped3A : memref<!tpu.dma_semaphore, #tpu.memory_space<semaphore_mem>>) src(%dma_wait3A_179 : memref<81920xf32, #tpu.memory_space<vmem>>) dst(%dma_wait3A_177 : memref<81920xf32, #tpu.memory_space<hbm>>)
      tpu.yield
    }) : () -> ()
    %mul3A_144 = arith.constant 4 : i32
    %mul3A_145 = arith.muli %arg1, %mul3A_144 : i32
    %add3A_146 = arith.constant 3 : i32
    %add3A_147 = arith.addi %mul3A_145, %add3A_146 : i32
    %mul3A_148 = arith.constant 81920 : i32
    %mul3A_149 = arith.muli %add3A_147, %mul3A_148 : i32
    %parallel_loop3A_150 = arith.constant 0 : i32
    %parallel_loop3A_151 = arith.constant 81920 : i32
    %parallel_loop3A_152 = arith.constant 16 : i32
    scf.for %parallel_loop3A_168 = %parallel_loop3A_150 to %parallel_loop3A_151 step %parallel_loop3A_152  : i32 {
      %parallel_loop3A_169 = arith.constant 0.000000e+00 : f32
      %parallel_loop3A_170 = vector.broadcast %parallel_loop3A_169 : f32 to vector<16xf32>
      %parallel_loop3A_171 = arith.index_cast %parallel_loop3A_168 : i32 to index
      %parallel_loop3A_172 = tpu.vector_load %arg11[%parallel_loop3A_171] {strides = array<i32>} : memref<81936xf32, #tpu.memory_space<vmem>>, vector<16xf32>,
      tpu.vector_store %arg11[%parallel_loop3A_171], %parallel_loop3A_170 {strides = array<i32>} : memref<81936xf32, #tpu.memory_space<vmem>>, vector<16xf32>,
    } {sc.loop_unroll_factor = 8 : i64, sc.parallel_access}
    %dma_start3A_153 = tpu.memref_slice %arg6[%mul3A_12] : memref<640000xi32, #tpu.memory_space<hbm>> -> memref<8000xi32, #tpu.memory_space<hbm>>
    %dma_start3A_154 = tpu.memref_slice %arg6[%mul3A_12] : memref<640000xi32, #tpu.memory_space<hbm>> -> memref<8000xi32, #tpu.memory_space<hbm>>
    tpu.enqueue_dma source(%dma_start3A_154 : memref<8000xi32, #tpu.memory_space<hbm>>) target(%arg9 : memref<8000xi32, #tpu.memory_space<vmem>>) target_semaphore(%arg14 : memref<!tpu.dma_semaphore, #tpu.memory_space<semaphore_mem>>)
    %scan3A_155 = arith.constant 0 : i32
    %scan3A_156 = arith.constant 0 : i32
    %scan3A_157 = arith.constant 20 : i32
    %scan3A_158 = arith.addi %scan3A_156, %scan3A_157 : i32
    %scan3A_159 = arith.constant 1 : i32
    scf.for %scan3A_168 = %scan3A_156 to %scan3A_158 step %scan3A_159  : i32 {
      %mul3A_169 = arith.constant 2 : i32
      %mul3A_170 = arith.muli %mul3A_169, %scan3A_168 : i32
      %add3A_171 = arith.constant 1 : i32
      %add3A_172 = arith.addi %mul3A_170, %add3A_171 : i32
      %mul3A_173 = arith.constant 8000 : i32
      %mul3A_174 = arith.muli %add3A_172, %mul3A_173 : i32
      %add3A_175 = arith.addi %mul3A_12, %mul3A_174 : i32
      %dma_start3A_176 = tpu.memref_slice %arg6[%add3A_175] : memref<640000xi32, #tpu.memory_space<hbm>> -> memref<8000xi32, #tpu.memory_space<hbm>>
      %dma_start3A_177 = tpu.memref_slice %arg6[%add3A_175] : memref<640000xi32, #tpu.memory_space<hbm>> -> memref<8000xi32, #tpu.memory_space<hbm>>
      tpu.enqueue_dma source(%dma_start3A_177 : memref<8000xi32, #tpu.memory_space<hbm>>) target(%arg10 : memref<8000xi32, #tpu.memory_space<vmem>>) target_semaphore(%arg15 : memref<!tpu.dma_semaphore, #tpu.memory_space<semaphore_mem>>)
      %dma_wait3A_178 = tpu.memref_slice %arg6[%mul3A_12] : memref<640000xi32, #tpu.memory_space<hbm>> -> memref<8000xi32, #tpu.memory_space<hbm>>
      %dma_wait3A_179 = tpu.memref_slice %arg6[%mul3A_12] : memref<640000xi32, #tpu.memory_space<hbm>> -> memref<8000xi32, #tpu.memory_space<hbm>>
      tpu.wait_dma2 semaphore(%arg14 : memref<!tpu.dma_semaphore, #tpu.memory_space<semaphore_mem>>) src(%dma_wait3A_179 : memref<8000xi32, #tpu.memory_space<hbm>>) dst(%arg9 : memref<8000xi32, #tpu.memory_space<vmem>>)
      %parallel_loop3A_180 = arith.constant 0 : i32
      %parallel_loop3A_181 = arith.constant 8000 : i32
      %parallel_loop3A_182 = arith.constant 16 : i32
      scf.for %parallel_loop3A_190 = %parallel_loop3A_180 to %parallel_loop3A_181 step %parallel_loop3A_182  : i32 {
        %parallel_loop3A_191 = arith.index_cast %parallel_loop3A_190 : i32 to index
        %parallel_loop3A_192 = tpu.vector_load %arg9[%parallel_loop3A_191] {strides = array<i32>} : memref<8000xi32, #tpu.memory_space<vmem>>, vector<16xi32>,
        %parallel_loop3A_193 = vector.broadcast %mul3A_149 : i32 to vector<16xi32>
        %parallel_loop3A_194 = arith.subi %parallel_loop3A_192, %parallel_loop3A_193 : vector<16xi32>
        %parallel_loop3A_195 = vector.bitcast %parallel_loop3A_194 : vector<16xi32> to vector<16xi32>
        %parallel_loop3A_196 = arith.minui %parallel_loop3A_195, %bitcast3A : vector<16xi32>
        %parallel_loop3A_197 = vector.bitcast %parallel_loop3A_196 : vector<16xi32> to vector<16xi32>
        tpu.vector_store_idx %arg11[%parallel_loop3A_197], %broadcast_in_dim3A_7 {add = true} : memref<81936xf32, #tpu.memory_space<vmem>>[vector<16xi32>], vector<16xf32>,
      } {sc.loop_unroll_factor = 8 : i64, sc.parallel_access}
      %lt3A = arith.constant 19 : i32
      %lt3A_183 = arith.cmpi slt, %scan3A_168, %lt3A : i32
      %convert_element_type3A = arith.extui %lt3A_183 : i1 to i32
      %cond3A = arith.constant 0 : i32
      %cond3A_184 = arith.cmpi ne, %convert_element_type3A, %cond3A : i32
      scf.if %cond3A_184 {
        %mul3A_190 = arith.constant 2 : i32
        %mul3A_191 = arith.muli %mul3A_190, %scan3A_168 : i32
        %add3A_192 = arith.constant 2 : i32
        %add3A_193 = arith.addi %mul3A_191, %add3A_192 : i32
        %mul3A_194 = arith.constant 8000 : i32
        %mul3A_195 = arith.muli %add3A_193, %mul3A_194 : i32
        %add3A_196 = arith.addi %mul3A_12, %mul3A_195 : i32
        %dma_start3A_197 = tpu.memref_slice %arg6[%add3A_196] : memref<640000xi32, #tpu.memory_space<hbm>> -> memref<8000xi32, #tpu.memory_space<hbm>>
        %dma_start3A_198 = tpu.memref_slice %arg6[%add3A_196] : memref<640000xi32, #tpu.memory_space<hbm>> -> memref<8000xi32, #tpu.memory_space<hbm>>
        tpu.enqueue_dma source(%dma_start3A_198 : memref<8000xi32, #tpu.memory_space<hbm>>) target(%arg9 : memref<8000xi32, #tpu.memory_space<vmem>>) target_semaphore(%arg14 : memref<!tpu.dma_semaphore, #tpu.memory_space<semaphore_mem>>)
      } else {
      }
      %dma_wait3A_185 = tpu.memref_slice %arg6[%mul3A_12] : memref<640000xi32, #tpu.memory_space<hbm>> -> memref<8000xi32, #tpu.memory_space<hbm>>
      %dma_wait3A_186 = tpu.memref_slice %arg6[%mul3A_12] : memref<640000xi32, #tpu.memory_space<hbm>> -> memref<8000xi32, #tpu.memory_space<hbm>>
      tpu.wait_dma2 semaphore(%arg15 : memref<!tpu.dma_semaphore, #tpu.memory_space<semaphore_mem>>) src(%dma_wait3A_186 : memref<8000xi32, #tpu.memory_space<hbm>>) dst(%arg10 : memref<8000xi32, #tpu.memory_space<vmem>>)
      %parallel_loop3A_187 = arith.constant 0 : i32
      %parallel_loop3A_188 = arith.constant 8000 : i32
      %parallel_loop3A_189 = arith.constant 16 : i32
      scf.for %parallel_loop3A_190 = %parallel_loop3A_187 to %parallel_loop3A_188 step %parallel_loop3A_189  : i32 {
        %parallel_loop3A_191 = arith.index_cast %parallel_loop3A_190 : i32 to index
        %parallel_loop3A_192 = tpu.vector_load %arg10[%parallel_loop3A_191] {strides = array<i32>} : memref<8000xi32, #tpu.memory_space<vmem>>, vector<16xi32>,
        %parallel_loop3A_193 = vector.broadcast %mul3A_149 : i32 to vector<16xi32>
        %parallel_loop3A_194 = arith.subi %parallel_loop3A_192, %parallel_loop3A_193 : vector<16xi32>
        %parallel_loop3A_195 = vector.bitcast %parallel_loop3A_194 : vector<16xi32> to vector<16xi32>
        %parallel_loop3A_196 = arith.minui %parallel_loop3A_195, %bitcast3A : vector<16xi32>
        %parallel_loop3A_197 = vector.bitcast %parallel_loop3A_196 : vector<16xi32> to vector<16xi32>
        tpu.vector_store_idx %arg11[%parallel_loop3A_197], %broadcast_in_dim3A_7 {add = true} : memref<81936xf32, #tpu.memory_space<vmem>>[vector<16xi32>], vector<16xf32>,
      } {sc.loop_unroll_factor = 8 : i64, sc.parallel_access}
    }
    %scan3A_160 = arith.constant 20 : i32
    %mul3A_161 = arith.constant 512 : i32
    %mul3A_162 = arith.muli %arg0, %mul3A_161 : i32
    %mul3A_163 = arith.constant 8 : i32
    %mul3A_164 = arith.muli %add3A_147, %mul3A_163 : i32
    %add3A_165 = arith.addi %mul3A_162, %mul3A_164 : i32
    %mul3A_166 = arith.constant 10240 : i32
    %mul3A_167 = arith.muli %add3A_165, %mul3A_166 : i32
    "tpu.region"() ({
      %run_scoped3A = tpu.sem_alloc : memref<!tpu.dma_semaphore, #tpu.memory_space<semaphore_mem>>
      %dma_start3A_168 = arith.constant 0 : i32
      %dma_start3A_169 = tpu.memref_slice %arg11[%dma_start3A_168] : memref<81936xf32, #tpu.memory_space<vmem>> -> memref<81920xf32, #tpu.memory_space<vmem>>
      %dma_start3A_170 = tpu.memref_slice %arg7[%mul3A_167] : memref<10485760xf32, #tpu.memory_space<hbm>> -> memref<81920xf32, #tpu.memory_space<hbm>>
      %dma_start3A_171 = tpu.memref_slice %arg7[%mul3A_167] : memref<10485760xf32, #tpu.memory_space<hbm>> -> memref<81920xf32, #tpu.memory_space<hbm>>
      %dma_start3A_172 = arith.constant 0 : i32
      %dma_start3A_173 = tpu.memref_slice %arg11[%dma_start3A_172] : memref<81936xf32, #tpu.memory_space<vmem>> -> memref<81920xf32, #tpu.memory_space<vmem>>
      tpu.enqueue_dma source(%dma_start3A_173 : memref<81920xf32, #tpu.memory_space<vmem>>) target(%dma_start3A_171 : memref<81920xf32, #tpu.memory_space<hbm>>) target_semaphore(%run_scoped3A : memref<!tpu.dma_semaphore, #tpu.memory_space<semaphore_mem>>)
      %dma_wait3A_174 = arith.constant 0 : i32
      %dma_wait3A_175 = tpu.memref_slice %arg11[%dma_wait3A_174] : memref<81936xf32, #tpu.memory_space<vmem>> -> memref<81920xf32, #tpu.memory_space<vmem>>
      %dma_wait3A_176 = tpu.memref_slice %arg7[%mul3A_167] : memref<10485760xf32, #tpu.memory_space<hbm>> -> memref<81920xf32, #tpu.memory_space<hbm>>
      %dma_wait3A_177 = tpu.memref_slice %arg7[%mul3A_167] : memref<10485760xf32, #tpu.memory_space<hbm>> -> memref<81920xf32, #tpu.memory_space<hbm>>
      %dma_wait3A_178 = arith.constant 0 : i32
      %dma_wait3A_179 = tpu.memref_slice %arg11[%dma_wait3A_178] : memref<81936xf32, #tpu.memory_space<vmem>> -> memref<81920xf32, #tpu.memory_space<vmem>>
      tpu.wait_dma2 semaphore(%run_scoped3A : memref<!tpu.dma_semaphore, #tpu.memory_space<semaphore_mem>>) src(%dma_wait3A_179 : memref<81920xf32, #tpu.memory_space<vmem>>) dst(%dma_wait3A_177 : memref<81920xf32, #tpu.memory_space<hbm>>)
      tpu.yield
    }) : () -> ()
    return
  }
}

module attributes {stable_mosaic.version = 14 : i64} {
  func.func @_tc_body(%arg0: i32, %arg1: i32, %arg2: memref<1x512x1024xf32, #tpu.memory_space<vmem>>, %arg3: memref<1024x128xf32, #tpu.memory_space<vmem>>, %arg4: memref<1x512x128xf32, #tpu.memory_space<vmem>>, %arg5: memref<384x128xf32, #tpu.memory_space<vmem>>, %arg6: memref<384x128xf32, #tpu.memory_space<vmem>>, %arg7: memref<1x384xf32, #tpu.memory_space<vmem>>, %arg8: memref<1x384xf32, #tpu.memory_space<vmem>>, %arg9: memref<1x512x128xf32, #tpu.memory_space<vmem>>, %arg10: memref<512x128xf32, #tpu.memory_space<vmem>>, %arg11: memref<512x128xf32, #tpu.memory_space<vmem>>) attributes {dimension_semantics = [#tpu.dimension_semantics<arbitrary>, #tpu.dimension_semantics<arbitrary>], iteration_bounds = array<i64: 2, 10>, scalar_prefetch = 0 : i64, scratch_operands = 2 : i64, tpu.core_type = #tpu.core_type<tc>, window_params = [{transform_indices = @transform_0, window_bounds = array<i64: 1, 512, 1024>}, {transform_indices = @transform_1, window_bounds = array<i64: 1024, 128>}, {transform_indices = @transform_2, window_bounds = array<i64: 1, 512, 128>}, {pipeline_mode = #tpu.pipeline_mode<synchronous>, transform_indices = @transform_3, window_bounds = array<i64: 384, 128>}, {pipeline_mode = #tpu.pipeline_mode<synchronous>, transform_indices = @transform_4, window_bounds = array<i64: 384, 128>}, {pipeline_mode = #tpu.pipeline_mode<synchronous>, transform_indices = @transform_5, window_bounds = array<i64: 1, 384>}, {pipeline_mode = #tpu.pipeline_mode<synchronous>, transform_indices = @transform_6, window_bounds = array<i64: 1, 384>}, {transform_indices = @transform_7, window_bounds = array<i64: 1, 512, 128>}]} {
    %eq3A = arith.constant 0 : i32
    %eq3A_0 = arith.cmpi eq, %arg1, %eq3A : i32
    %convert_element_type3A = arith.extui %eq3A_0 : i1 to i32
    %cond3A = arith.constant 0 : i32
    %cond3A_1 = arith.cmpi ne, %convert_element_type3A, %cond3A : i32
    scf.if %cond3A_1 {
      %broadcast_in_dim3A_30 = arith.constant 0.000000e+00 : f32
      %broadcast_in_dim3A_31 = vector.broadcast %broadcast_in_dim3A_30 : f32 to vector<512x128xf32>
      %swap3A_32 = arith.constant 0 : index
      %swap3A_33 = arith.constant 0 : index
      %swap3A_34 = vector.load %arg10[%swap3A_32, %swap3A_33] : memref<512x128xf32, #tpu.memory_space<vmem>>, vector<512x128xf32>
      tpu.vector_store %arg10[%swap3A_32, %swap3A_33], %broadcast_in_dim3A_31 {strides = array<i32>} : memref<512x128xf32, #tpu.memory_space<vmem>>, vector<512x128xf32>,
      %broadcast_in_dim3A_35 = arith.constant 0.000000e+00 : f32
      %broadcast_in_dim3A_36 = vector.broadcast %broadcast_in_dim3A_35 : f32 to vector<512x128xf32>
      %swap3A_37 = arith.constant 0 : index
      %swap3A_38 = arith.constant 0 : index
      %swap3A_39 = vector.load %arg11[%swap3A_37, %swap3A_38] : memref<512x128xf32, #tpu.memory_space<vmem>>, vector<512x128xf32>
      tpu.vector_store %arg11[%swap3A_37, %swap3A_38], %broadcast_in_dim3A_36 {strides = array<i32>} : memref<512x128xf32, #tpu.memory_space<vmem>>, vector<512x128xf32>,
    } else {
    }
    %get3A = arith.constant 0 : index
    %get3A_2 = arith.constant 0 : index
    %get3A_3 = arith.constant 0 : index
    %get3A_4 = vector.load %arg2[%get3A, %get3A_2, %get3A_3] : memref<1x512x1024xf32, #tpu.memory_space<vmem>>, vector<1x512x1024xf32>
    %get3A_5 = vector.shape_cast %get3A_4 : vector<1x512x1024xf32> to vector<512x1024xf32>
    %get3A_6 = arith.constant 0 : index
    %get3A_7 = arith.constant 0 : index
    %get3A_8 = vector.load %arg10[%get3A_6, %get3A_7] : memref<512x128xf32, #tpu.memory_space<vmem>>, vector<512x128xf32>
    %get3A_9 = arith.constant 0 : index
    %get3A_10 = arith.constant 0 : index
    %get3A_11 = vector.load %arg3[%get3A_9, %get3A_10] : memref<1024x128xf32, #tpu.memory_space<vmem>>, vector<1024x128xf32>
    %dot_general3A = arith.constant dense<0.000000e+00> : vector<512x128xf32>
    %dot_general3A_12 = tpu.matmul %get3A_5, %get3A_11, %dot_general3A {dimension_numbers = #tpu.dot_dimension_numbers<[1], [0], [0], [1], [0, 0, 1, 1], [], []>, transpose_lhs_hint = false} : vector<512x1024xf32>, vector<1024x128xf32>, vector<512x128xf32> -> vector<512x128xf32>
    %add3A = arith.addf %get3A_8, %dot_general3A_12 : vector<512x128xf32>
    %swap3A = arith.constant 0 : index
    %swap3A_13 = arith.constant 0 : index
    %swap3A_14 = vector.load %arg10[%swap3A, %swap3A_13] : memref<512x128xf32, #tpu.memory_space<vmem>>, vector<512x128xf32>
    tpu.vector_store %arg10[%swap3A, %swap3A_13], %add3A {strides = array<i32>} : memref<512x128xf32, #tpu.memory_space<vmem>>, vector<512x128xf32>,
    %get3A_15 = arith.constant 0 : index
    %get3A_16 = arith.constant 0 : index
    %get3A_17 = vector.load %arg11[%get3A_15, %get3A_16] : memref<512x128xf32, #tpu.memory_space<vmem>>, vector<512x128xf32>
    %reduce_sum3A = arith.constant dense<0.000000e+00> : vector<512xf32>
    %reduce_sum3A_18 = vector.multi_reduction <add>, %get3A_5, %reduce_sum3A [1] : vector<512x1024xf32> to vector<512xf32>
    %broadcast_in_dim3A = vector.shape_cast %reduce_sum3A_18 : vector<512xf32> to vector<512x1xf32>
    %broadcast_in_dim3A_19 = vector.shape_cast %broadcast_in_dim3A : vector<512x1xf32> to vector<512x1xf32>
    %broadcast_in_dim3A_20 = vector.broadcast %broadcast_in_dim3A_19 : vector<512x1xf32> to vector<512x128xf32>
    %add3A_21 = arith.addf %get3A_17, %broadcast_in_dim3A_20 : vector<512x128xf32>
    %swap3A_22 = arith.constant 0 : index
    %swap3A_23 = arith.constant 0 : index
    %swap3A_24 = vector.load %arg11[%swap3A_22, %swap3A_23] : memref<512x128xf32, #tpu.memory_space<vmem>>, vector<512x128xf32>
    tpu.vector_store %arg11[%swap3A_22, %swap3A_23], %add3A_21 {strides = array<i32>} : memref<512x128xf32, #tpu.memory_space<vmem>>, vector<512x128xf32>,
    %eq3A_25 = arith.constant 9 : i32
    %eq3A_26 = arith.cmpi eq, %arg1, %eq3A_25 : i32
    %convert_element_type3A_27 = arith.extui %eq3A_26 : i1 to i32
    %cond3A_28 = arith.constant 0 : i32
    %cond3A_29 = arith.cmpi ne, %convert_element_type3A_27, %cond3A_28 : i32
    scf.if %cond3A_29 {
      %get3A_30 = arith.constant 0 : index
      %get3A_31 = arith.constant 0 : index
      %get3A_32 = vector.load %arg10[%get3A_30, %get3A_31] : memref<512x128xf32, #tpu.memory_space<vmem>>, vector<512x128xf32>
      %get3A_33 = arith.constant 0 : index
      %get3A_34 = arith.constant 0 : index
      %get3A_35 = vector.load %arg11[%get3A_33, %get3A_34] : memref<512x128xf32, #tpu.memory_space<vmem>>, vector<512x128xf32>
      %max3A = arith.constant 1.000000e+00 : f32
      %max3A_36 = vector.broadcast %max3A : f32 to vector<512x128xf32>
      %max3A_37 = arith.maximumf %get3A_35, %max3A_36 : vector<512x128xf32>
      %div3A = arith.divf %get3A_32, %max3A_37 : vector<512x128xf32>
      %get3A_38 = arith.constant 0 : index
      %get3A_39 = arith.constant 0 : index
      %get3A_40 = arith.constant 0 : index
      %get3A_41 = vector.load %arg4[%get3A_38, %get3A_39, %get3A_40] : memref<1x512x128xf32, #tpu.memory_space<vmem>>, vector<1x512x128xf32>
      %get3A_42 = vector.shape_cast %get3A_41 : vector<1x512x128xf32> to vector<512x128xf32>
      %get3A_43 = arith.constant 0 : index
      %get3A_44 = arith.constant 0 : index
      %get3A_45 = vector.load %arg5[%get3A_43, %get3A_44] : memref<384x128xf32, #tpu.memory_space<vmem>>, vector<384x128xf32>
      %dot_general3A_46 = arith.constant dense<0.000000e+00> : vector<512x384xf32>
      %dot_general3A_47 = tpu.matmul %div3A, %get3A_45, %dot_general3A_46 {dimension_numbers = #tpu.dot_dimension_numbers<[1], [1], [0], [0], [0, 0, 1, 0], [], []>, transpose_lhs_hint = false} : vector<512x128xf32>, vector<384x128xf32>, vector<512x384xf32> -> vector<512x384xf32>
      %get3A_48 = arith.constant 0 : index
      %get3A_49 = arith.constant 0 : index
      %get3A_50 = vector.load %arg7[%get3A_48, %get3A_49] : memref<1x384xf32, #tpu.memory_space<vmem>>, vector<1x384xf32>
      %add3A_51 = vector.broadcast %get3A_50 : vector<1x384xf32> to vector<512x384xf32>
      %add3A_52 = arith.addf %dot_general3A_47, %add3A_51 : vector<512x384xf32>
      %get3A_53 = arith.constant 0 : index
      %get3A_54 = arith.constant 0 : index
      %get3A_55 = vector.load %arg6[%get3A_53, %get3A_54] : memref<384x128xf32, #tpu.memory_space<vmem>>, vector<384x128xf32>
      %dot_general3A_56 = arith.constant dense<0.000000e+00> : vector<512x384xf32>
      %dot_general3A_57 = tpu.matmul %get3A_42, %get3A_55, %dot_general3A_56 {dimension_numbers = #tpu.dot_dimension_numbers<[1], [1], [0], [0], [0, 0, 1, 0], [], []>, transpose_lhs_hint = false} : vector<512x128xf32>, vector<384x128xf32>, vector<512x384xf32> -> vector<512x384xf32>
      %get3A_58 = arith.constant 0 : index
      %get3A_59 = arith.constant 0 : index
      %get3A_60 = vector.load %arg8[%get3A_58, %get3A_59] : memref<1x384xf32, #tpu.memory_space<vmem>>, vector<1x384xf32>
      %add3A_61 = vector.broadcast %get3A_60 : vector<1x384xf32> to vector<512x384xf32>
      %add3A_62 = arith.addf %dot_general3A_57, %add3A_61 : vector<512x384xf32>
      %slice3A = vector.extract_strided_slice %add3A_52 {offsets = [0, 0], sizes = [512, 128], strides = [1, 1]} : vector<512x384xf32> to vector<512x128xf32>
      %slice3A_63 = vector.extract_strided_slice %add3A_62 {offsets = [0, 0], sizes = [512, 128], strides = [1, 1]} : vector<512x384xf32> to vector<512x128xf32>
      %add3A_64 = arith.addf %slice3A, %slice3A_63 : vector<512x128xf32>
      %logistic3A = arith.negf %add3A_64 : vector<512x128xf32>
      %logistic3A_65 = math.exp %logistic3A : vector<512x128xf32>
      %logistic3A_66 = arith.constant 1.000000e+00 : f32
      %logistic3A_67 = vector.broadcast %logistic3A_66 : f32 to vector<512x128xf32>
      %logistic3A_68 = arith.addf %logistic3A_67, %logistic3A_65 : vector<512x128xf32>
      %logistic3A_69 = arith.divf %logistic3A_67, %logistic3A_68 : vector<512x128xf32>
      %slice3A_70 = vector.extract_strided_slice %add3A_52 {offsets = [0, 128], sizes = [512, 128], strides = [1, 1]} : vector<512x384xf32> to vector<512x128xf32>
      %slice3A_71 = vector.extract_strided_slice %add3A_62 {offsets = [0, 128], sizes = [512, 128], strides = [1, 1]} : vector<512x384xf32> to vector<512x128xf32>
      %add3A_72 = arith.addf %slice3A_70, %slice3A_71 : vector<512x128xf32>
      %logistic3A_73 = arith.negf %add3A_72 : vector<512x128xf32>
      %logistic3A_74 = math.exp %logistic3A_73 : vector<512x128xf32>
      %logistic3A_75 = arith.constant 1.000000e+00 : f32
      %logistic3A_76 = vector.broadcast %logistic3A_75 : f32 to vector<512x128xf32>
      %logistic3A_77 = arith.addf %logistic3A_76, %logistic3A_74 : vector<512x128xf32>
      %logistic3A_78 = arith.divf %logistic3A_76, %logistic3A_77 : vector<512x128xf32>
      %slice3A_79 = vector.extract_strided_slice %add3A_52 {offsets = [0, 256], sizes = [512, 128], strides = [1, 1]} : vector<512x384xf32> to vector<512x128xf32>
      %slice3A_80 = vector.extract_strided_slice %add3A_62 {offsets = [0, 256], sizes = [512, 128], strides = [1, 1]} : vector<512x384xf32> to vector<512x128xf32>
      %mul3A = arith.mulf %logistic3A_69, %slice3A_80 : vector<512x128xf32>
      %add3A_81 = arith.addf %slice3A_79, %mul3A : vector<512x128xf32>
      %tanh3A = math.tanh %add3A_81 : vector<512x128xf32>
      %sub3A = arith.constant 1.000000e+00 : f32
      %sub3A_82 = vector.broadcast %sub3A : f32 to vector<512x128xf32>
      %sub3A_83 = arith.subf %sub3A_82, %logistic3A_78 : vector<512x128xf32>
      %mul3A_84 = arith.mulf %sub3A_83, %tanh3A : vector<512x128xf32>
      %mul3A_85 = arith.mulf %logistic3A_78, %get3A_42 : vector<512x128xf32>
      %add3A_86 = arith.addf %mul3A_84, %mul3A_85 : vector<512x128xf32>
      %swap3A_87 = arith.constant 0 : index
      %swap3A_88 = arith.constant 0 : index
      %swap3A_89 = arith.constant 0 : index
      %swap3A_90 = vector.load %arg9[%swap3A_87, %swap3A_88, %swap3A_89] : memref<1x512x128xf32, #tpu.memory_space<vmem>>, vector<1x512x128xf32>
      %swap3A_91 = vector.shape_cast %swap3A_90 : vector<1x512x128xf32> to vector<512x128xf32>
      %swap3A_92 = vector.shape_cast %add3A_86 : vector<512x128xf32> to vector<1x512x128xf32>
      tpu.vector_store %arg9[%swap3A_87, %swap3A_88, %swap3A_89], %swap3A_92 {strides = array<i32>} : memref<1x512x128xf32, #tpu.memory_space<vmem>>, vector<1x512x128xf32>,
    } else {
    }
    return
  }
  func.func @transform_0(%arg0: i32, %arg1: i32) -> (i32, i32, i32) {
    %c0_i32 = arith.constant 0 : i32
    %c0_i32_0 = arith.constant 0 : i32
    return %arg0, %c0_i32, %arg1 : i32, i32, i32
  }
  func.func @transform_1(%arg0: i32, %arg1: i32) -> (i32, i32) {
    %c0_i32 = arith.constant 0 : i32
    %c0_i32_0 = arith.constant 0 : i32
    return %arg1, %c0_i32 : i32, i32
  }
  func.func @transform_2(%arg0: i32, %arg1: i32) -> (i32, i32, i32) {
    %c0_i32 = arith.constant 0 : i32
    %c0_i32_0 = arith.constant 0 : i32
    %c0_i32_1 = arith.constant 0 : i32
    return %arg0, %c0_i32, %c0_i32_0 : i32, i32, i32
  }
  func.func @transform_3(%arg0: i32, %arg1: i32) -> (i32, i32) {
    %c0_i32 = arith.constant 0 : i32
    %c0_i32_0 = arith.constant 0 : i32
    %c0_i32_1 = arith.constant 0 : i32
    return %c0_i32, %c0_i32_0 : i32, i32
  }
  func.func @transform_4(%arg0: i32, %arg1: i32) -> (i32, i32) {
    %c0_i32 = arith.constant 0 : i32
    %c0_i32_0 = arith.constant 0 : i32
    %c0_i32_1 = arith.constant 0 : i32
    return %c0_i32, %c0_i32_0 : i32, i32
  }
  func.func @transform_5(%arg0: i32, %arg1: i32) -> (i32, i32) {
    %c0_i32 = arith.constant 0 : i32
    %c0_i32_0 = arith.constant 0 : i32
    %c0_i32_1 = arith.constant 0 : i32
    return %c0_i32, %c0_i32_0 : i32, i32
  }
  func.func @transform_6(%arg0: i32, %arg1: i32) -> (i32, i32) {
    %c0_i32 = arith.constant 0 : i32
    %c0_i32_0 = arith.constant 0 : i32
    %c0_i32_1 = arith.constant 0 : i32
    return %c0_i32, %c0_i32_0 : i32, i32
  }
  func.func @transform_7(%arg0: i32, %arg1: i32) -> (i32, i32, i32) {
    %c0_i32 = arith.constant 0 : i32
    %c0_i32_0 = arith.constant 0 : i32
    %c0_i32_1 = arith.constant 0 : i32
    return %arg0, %c0_i32, %c0_i32_0 : i32, i32, i32
  }
}

</mosaic_0001>

<sc_bundles>
// kernel: kernel.4.cloned.1.call-start
scs
__scs_entry_jumppad:
0x0: {  	(pc) =	sbr.rel $0x88, $3  }
0x1: {  	(tag) =	ssettag $0x0;
	lr =	simm.s32 $0x1  }
0x2: {  	[smem:$0x3F98] =	sst lr;
	_ =	strace $0xD0000000  }
0x3: {  	_ = 	snop  }
0x4: {  	_ = 	snop  }
0x5: {  	_ = 	snop  }
0x6: {  	_ = 	snop  }
0x7: {  	_ = 	snop  }
__scs_overlays_trampoline_lowered:
0x8: {  	[smem:$0x3FA7] =	sst s0  }
0x9: {  	[smem:$0x3FA8] =	sst s1  }
0xa: {  	[smem:$0x3FA9] =	sst s2  }
0xb: {  	[smem:$0x3FAA] =	sst s3  }
0xc: {  	[smem:$0x3FAB] =	sst s4  }
0xd: {  	[smem:$0x3FAC] =	sst s5  }
0xe: {  	[smem:$0x3FAD] =	sst s6  }
0xf: {  	[smem:$0x3FAE] =	sst s7  }
0x10: {  	[smem:$0x3FAF] =	sst s8  }
0x11: {  	[smem:$0x3FB0] =	sst s9;
	s0 =	simm.s32 @!p0 $0x0  }
0x12: {  	s1 =	sld [smem:$0x3F96];
	s0 =	simm.s32 @p0 $0x1  }
0x13: {  	[smem:$0x3FB1] =	sst s0;
	s0 =	simm.s32 @!p1 $0x0  }
0x14: {  	s2 =	sld [smem:$0x3F95];
	s0 =	simm.s32 @p1 $0x1  }
0x15: {  	[smem:$0x3FB2] =	sst s0;
	s0 =	simm.s32 @!p2 $0x0  }
0x16: {  	s3 =	sld [smem:$0x3FDB];
	s0 =	simm.s32 @p2 $0x1  }
0x17: {  	s4 =	simm.s32 $0x1BF5;
	[smem:$0x3FB4] =	sst s0  }
0x18: {  	s0 =	sld [smem:$0x3F97];
	_ =	swait.ge [sflag:s4], $0x0  }
0x19: {  	s7 =	sld [smem:$0x3F98]  }
0x1a: {  	s8 =	sadd.s32 $0xFFFFE003, lr  }
0x1b: {  	s9 =	sadd.s32 $0xFFFFFEF7, lr;
	s5 =	simm.s32 $0xFFFFFFFF;
	p2 =	slt.u32 s8, $0xFFFFF086  }
0x1c: {  	p1 =	slt.u32 s9, $0xF7A;
	s5 =	simm.s32 @!p2 $0x0  }
0x1d: {  	s5 =	simm.s32 @p1 $0x1;
	p0 =	seq.s32 s7, s2  }
0x1e: {  	s7 =	smul.u32 @!p0 $0xF7A, s2;
	p2 =	seq.s32 @!p0 s5, $0x0  }
0x1f: {  	s9 =	smul.u32 $0xF7A, s1;
	s8 =	simm.s32 @!p0 $0x1BF5;
	p2 =	por !p2, p0  }
0x20: {  	[sflag:s8] =	ssyncset.s32 @!p0 $0xFFFFF086;
	s6 =	sadd.s32 @!p0 s3, s7;
	s7 =	simm.s32 @!p0 $0x108  }
0x21: {  	s3 =	sadd.s32 s3, s9;
	s6 =	sadd.s32 @!p0 $0x88, s6;
	s7 =	simm.s32 @p2 $0x1082  }
0x22: {  	[simem:s7], [sflag:s8] =	dma.local @!p0 [hbm:s6], $0xF7A  }
0x23: {  	s9 =	sor.u32 $0xD0000000, s2;
	s6 =	simm.s32 $0x108;
	_ =	swait.ge @!p0 [sflag:s8], $0x0  }
0x24: {  	s3 =	sadd.s32 $0x88, s3;
	s6 =	simm.s32 @!p1 $0x1082;
	[sflag:s4] =	ssyncset.s32 $0xFFFFF086  }
0x25: {  	[simem:s6], [sflag:s4] =	dma.local [hbm:s3], $0xF7A  }
0x26: {  	[smem:$0x3F98] =	sst s1;
	(tag) =	ssettag s2;
	_ =	strace s9  }
0x27: {  	s1 =	sld [smem:$0x3FA8]  }
0x28: {  	s2 =	sld [smem:$0x3FA9]  }
0x29: {  	s4 =	sld [smem:$0x3FAB]  }
0x2a: {  	p0 =	seq.s32 s5, $0x0;
	s5 =	sld [smem:$0x3FAC]  }
0x2b: {  	s6 =	sld [smem:$0x3FAD]  }
0x2c: {  	s7 =	sld [smem:$0x3FAE]  }
0x2d: {  	s3 =	simm.s32 $0x108;
	s8 =	sld [smem:$0x3FAF]  }
0x2e: {  	s3 =	simm.s32 @!p0 $0x1082;
	s9 =	sld [smem:$0x3FB0]  }
0x2f: {  	lr =	sadd.s32 s0, s3;
	s0 =	sld [smem:$0x3FA7]  }
0x30: {  	s3 =	sld [smem:$0x3FAA]  }
0x31: {  	[smem:$0x3FB3] =	sst s10  }
0x32: {  	s10 =	sld [smem:$0x3FB1];
	_ =	sdelay $0x3  }
0x33: {  	p0 =	seq.s32 s10, $0x1;
	s10 =	sld [smem:$0x3FB3];
	_ =	sdelay $0x3  }
0x34: {  	[smem:$0x3FB3] =	sst s10  }
0x35: {  	s10 =	sld [smem:$0x3FB2];
	_ =	sdelay $0x3  }
0x36: {  	p1 =	seq.s32 s10, $0x1;
	s10 =	sld [smem:$0x3FB3];
	_ =	sdelay $0x3  }
0x37: {  	[smem:$0x3FB3] =	sst s10  }
0x38: {  	s10 =	sld [smem:$0x3FB4]  }
0x39: {  	_ = 	snop;
	(pc) =	sbr.ind lr, $3  }
0x3a: {  	_ = 	snop  }
0x3b: {  	_ = 	snop  }
0x3c: {  	p2 =	seq.s32 s10, $0x1;
	s10 =	sld [smem:$0x3FB3]  }
0x3d: {  	_ =	shalt  }
0x3e: {  	_ =	shalt  }
0x3f: {  	_ =	shalt  }
0x40: {  	_ =	shalt  }
0x41: {  	_ =	shalt  }
0x42: {  	_ =	shalt  }
0x43: {  	_ =	shalt  }
0x44: {  	_ =	shalt  }
0x45: {  	_ =	shalt  }
0x46: {  	_ =	shalt  }
0x47: {  	_ =	shalt  }
0x48: {  	_ =	shalt  }
0x49: {  	_ =	shalt  }
0x4a: {  	_ =	shalt  }
0x4b: {  	_ =	shalt  }
0x4c: {  	_ =	shalt  }
0x4d: {  	_ =	shalt  }
0x4e: {  	_ =	shalt  }
0x4f: {  	_ =	shalt  }
0x50: {  	_ =	shalt  }
0x51: {  	_ =	shalt  }
0x52: {  	_ =	shalt  }
0x53: {  	_ =	shalt  }
0x54: {  	_ =	shalt  }
0x55: {  	_ =	shalt  }
0x56: {  	_ =	shalt  }
0x57: {  	_ =	shalt  }
0x58: {  	_ =	shalt  }
0x59: {  	_ =	shalt  }
0x5a: {  	_ =	shalt  }
0x5b: {  	_ =	shalt  }
0x5c: {  	_ =	shalt  }
0x5d: {  	_ =	shalt  }
0x5e: {  	_ =	shalt  }
0x5f: {  	_ =	shalt  }
0x60: {  	_ =	shalt  }
0x61: {  	_ =	shalt  }
0x62: {  	_ =	shalt  }
0x63: {  	_ =	shalt  }
0x64: {  	_ =	shalt  }
0x65: {  	_ =	shalt  }
0x66: {  	_ =	shalt  }
0x67: {  	_ =	shalt  }
0x68: {  	_ =	shalt  }
0x69: {  	_ =	shalt  }
0x6a: {  	_ =	shalt  }
0x6b: {  	_ =	shalt  }
0x6c: {  	_ =	shalt  }
0x6d: {  	_ =	shalt  }
0x6e: {  	_ =	shalt  }
0x6f: {  	_ =	shalt  }
0x70: {  	_ =	shalt  }
0x71: {  	_ =	shalt  }
0x72: {  	_ =	shalt  }
0x73: {  	_ =	shalt  }
0x74: {  	_ =	shalt  }
0x75: {  	_ =	shalt  }
0x76: {  	_ =	shalt  }
0x77: {  	_ =	shalt  }
0x78: {  	_ =	shalt  }
0x79: {  	_ =	shalt  }
0x7a: {  	_ =	shalt  }
0x7b: {  	_ =	shalt  }
0x7c: {  	_ =	shalt  }
0x7d: {  	_ =	shalt  }
0x7e: {  	_ =	shalt  }
0x7f: {  	_ =	shalt  }
0x80: {  	_ =	shalt  }
0x81: {  	_ =	shalt  }
0x82: {  	_ =	shalt  }
0x83: {  	_ =	shalt  }
0x84: {  	_ =	shalt  }
0x85: {  	_ =	shalt  }
0x86: {  	_ =	shalt  }
0x87: {  	_ =	shalt  }
.Lfunc_end0:
.L_simem_size_0:
called_computation_lowered:
.L_overlay_start_0:
0x88: {  	s2 =	sld [smem:$0x3FD9]  }
0x89: {  	s3 =	sld [smem:$0x3FFE];
	_ =	sdelay $0x1  }
0x8a: {  	s1 =	srdreg.scid  }
0x8b: {  	s0 =	sand.u32 $0x1, s1  }
0x8c: {  	s17 =	sshll.u32 s0, $0xA;
	s2 =	sadd.s32 s3, s2  }
0x8d: {  	s2 =	sadd.s32 s2, s17  }
0x8e: {  	[smem:$0x3FBF] =	sst s2  }
0x8f: {  	_ = 	snop  }
0x90: {  	s2 =	sld [smem:$0x3FC8]  }
0x91: {  	s18 =	sld [smem:$0x3FC5]  }
0x92: {  	s4 =	sld [smem:$0x3FD0];
	(tm) =	ssettm $0x1  }
0x93: {  	s5 =	sld [smem:$0x3FFB];
	_ =	sdelay $0x3  }
0x94: {  	_ =	strace s5  }
0x95: {  	s5 =	sld [smem:$0x3FFC];
	_ =	sdelay $0x3  }
0x96: {  	_ =	strace s5  }
0x97: {  	s5 =	sld [smem:$0x3FFD];
	_ =	sdelay $0x3  }
0x98: {  	_ =	strace s5  }
0x99: {  	_ =	strace $0x8FFFFFFF  }
0x9a: {  	s19 =	sld [smem:$0x3FDB];
	_ =	sdelay $0x1  }
0x9b: {  	s6 =	simm.s32 $_scs_section_size  }
0x9c: {  	s7 =	simm.s32 $_size__tile_overlayer_lowered;
	s8 =	simm.s32 $_tile_overlayer_lowered  }
0x9d: {  	s22 =	simm.s32 $0x1BFF;
	s21 =	sshll.u32 s8, $0x1;
	s5 =	sadd.s32 s6, s19  }
0x9e: {  	s9 =	simm.s32 $0x0;
	s20 =	sshll.u32 s7, $0x1;
	s7 =	sadd.s32 s21, s5  }
0x9f: {  	[timem:s9], [sflag:s22] =	dma.local [hbm:s7], s20  }
0xa0: {  	_ =	swait.ge [sflag:s22], s20  }
0xa1: {  	s6 =	ssub.s32 $0x0, s20;
	[sflag:s22] =	ssyncset.done $0x0  }
0xa2: {  	[sflag:s22] =	ssyncadd.s32 s6;
	_ =	sdelay $0x1  }
0xa3: {  	s23 =	simm.s32 $0x1B8B  }
0xa4: {  	_ =	swait.ge [sflag:s23], $0x1  }
0xa5: {  	[sflag:s23] =	ssyncset.done $0x0  }
0xa6: {  	s25 =	simm.s32 $0x1B8E;
	s24 =	sld [smem:$0x3FFE];
	[sflag:s23] =	ssyncadd.s32 $0xFFFFFFFF  }
0xa7: {  	s26 =	simm.s32 $execute0_lowered;
	[smem:$0x3FD2] =	sst s25  }
0xa8: {  	s7 =	sshll.u32 s26, $0x1;
	_ =	strace $0x80000046;
	[dreg:$0x1] =	wrdreg $0xFFFFFFFF  }
0xa9: {  	s28 =	simm.s32 $_size_execute0_lowered;
	s5 =	sadd.s32 s5, s7;
	[dreg:$0x0] =	wrdreg $0x0  }
0xaa: {  	s7 =	sshll.u32 s28, $0x1;
	[dreg:$0x2] =	wrdreg s5  }
0xab: {  	[dreg:$0x3] =	wrdreg s7  }
0xac: {  	[dreg:$0x4] =	wrdreg $0xC0  }
0xad: {  	_ =	task [dreg:s9], $0x5FFFF  }
0xae: {  	[dreg:$0x1] =	wrdreg $0xFFFFFFFF  }
0xaf: {  	[dreg:$0x0] =	wrdreg $0x60  }
0xb0: {  	[dreg:$0x2] =	wrdreg s2  }
0xb1: {  	[dreg:$0x3] =	wrdreg s24  }
0xb2: {  	[dreg:$0x4] =	wrdreg s18  }
0xb3: {  	[dreg:$0x5] =	wrdreg s4  }
0xb4: {  	[dreg:$0x6] =	wrdreg $0x9  }
0xb5: {  	_ =	task.clear_ibuf [dreg:s9], $0x7FFFF;
	_ =	strace $0x90000046  }
0xb6: {  	s29 =	simm.s32 $0x9;
	_ =	strace $0x80000048  }
0xb7: {  	_ =	swait.ge [sflag:s29], $0x1  }
0xb8: {  	[sflag:s29] =	ssyncadd.s32 $0xFFFFFFFF  }
0xb9: {  	_ =	strace $0x90000048  }
0xba: {  	_ =	sfence  }
0xbb: {  	s30 =	sld [smem:$0x0];
	_ =	sdelay $0x2  }
0xbc: {  	s31 =	sshll.u32 s1, $0xD;
	s1 =	sshrl.u32 s1, $0x2  }
0xbd: {  	s3 =	sand.u32 $0x4000, s31;
	s1 =	sadd.s32 s1, s30  }
0xbe: {  	s0 =	sor.u32 s3, s0;
	s1 =	sshll.u32 s1, $0x11  }
0xbf: {  	s0 =	sor.u32 s1, s0  }
0xc0: {  	s0 =	sadd.s32 $0x8F2B, s0  }
0xc1: {  	[sflag:s0] =	ssyncadd.remote.s32 $0x1  }
0xc2: {  	_ =	sfence.sel $0xFFFF  }
0xc3: {  	[dreg:$0x0] =	wrdreg $0xFFFFFFFF;
	(pc) =	sbr.abs _section_cstart, $3  }
0xc4: {  	[dreg:$0x1] =	wrdreg $0xFFFFFFFF  }
0xc5: {  	_ =	task.clear_ibuf [dreg:s9], $0x2FFFF;
	_ =	strace $0x9FFFFFFF  }
0xc6: {  	(tm) =	ssettm $0x7FFFFFFF  }
0xc7: {  	_ =	shalt  }
tec
execute0_lowered:
.L_overlay_start_1:
0x0: {  	(tag) =	ssettag $0x1  }
0x1: {  	s3 =	rddreg [dreg:$0x0]  }
0x2: {  	s0 =	srdreg.scid;
	s5 =	rddreg [dreg:$0x1]  }
0x3: {  	s31 =	stileid.u32;
	s2 =	rddreg [dreg:$0x3];
	s1 =	simm.s32 $0x0  }
0x4: {  	s4 =	sand.u32 $0x1, s0;
	s21 =	sshll.u32 s31, $0x1;
	s8 =	smul.u32 $0x4E20, s31  }
0x5: {  	[smem:$0x7FF] =	sst s1;
	s9 =	sadd.s32 $0x168E00, s5;
	s15 =	sshll.u32 s31, $0x5  }
0x6: {  	s17 =	sshll.u32 s31, $0x2;
	s6 =	sor.u32 s4, s21;
	s22 =	ssub.s32 $0x2, s4  }
0x7: {  	s19 =	sadd.s32 $0x28E00, s5;
	s7 =	smul.u32 $0x28, s6;
	s10 =	sshrl.u32 s22, $0x1  }
0x8: {  	s23 =	sshrl.u32 s8, $0x3;
	s12 =	sadd.s32 $0x2EE0, s8;
	s13 =	sadd.s32 $0x3E80, s8  }
0x9: {  	s0 =	ssub.s32 s22, s10;
	s10 =	sadd.s32 s3, s23;
	s26 =	sshrl.u32 s12, $0x3  }
0xa: {  	s14 =	sshrl.u32 s13, $0x3;
	s2 =	sadd.s32 s2, s7;
	[dreg:$0x6] =	wrdreg s10  }
0xb: {  	s7 =	sadd.s32 $0xFA0, s8;
	s10 =	sadd.s32 $0x1F40, s8;
	[dreg:$0x5] =	wrdreg s2  }
0xc: {  	s2 =	smul.u32 $0x4E200, s4;
	s11 =	sshrl.u32 s7, $0x3;
	s25 =	sshrl.u32 s10, $0x3  }
0xd: {  	s4 =	sshll.u32 s4, $0x9;
	s24 =	sadd.s32 s3, s11;
	s11 =	sadd.s32 s3, s25  }
0xe: {  	s16 =	sor.u32 s15, s4;
	s25 =	sadd.s32 $0x1A00, s5;
	[dreg:$0x8] =	wrdreg s11  }
0xf: {  	s11 =	sadd.s32 s3, s26;
	s3 =	sadd.s32 s3, s14;
	s14 =	smul.u32 $0x1400, s6  }
0x10: {  	[dreg:$0x7] =	wrdreg s24;
	s6 =	smul.u32 $0xA000, s6;
	s23 =	sadd.s32 s8, s2  }
0x11: {  	s24 =	sadd.s32 s2, s7;
	s8 =	sadd.s32 s2, s12;
	s28 =	sadd.s32 $0x1F40, s2  }
0x12: {  	s29 =	sadd.s32 $0x3E80, s2;
	s7 =	simm.s32 $0x2;
	[dreg:$0x9] =	wrdreg s11  }
0x13: {  	[dreg:$0xa] =	wrdreg s3;
	s11 =	sor.u32 $0x2, s17;
	s3 =	sadd.s32 s9, s14  }
0x14: {  	s6 =	sshrl.u32 s6, $0x3;
	s14 =	sor.u32 $0x1, s17;
	s15 =	sshll.u32 s11, $0x3  }
0x15: {  	[dreg:$0xb] =	wrdreg s3;
	s3 =	smul.u32 $0x500, s16;
	s6 =	sadd.s32 s9, s6  }
0x16: {  	s18 =	sshll.u32 s14, $0x3;
	s15 =	sor.u32 s4, s15;
	s12 =	smul.u32 $0x14000, s14  }
0x17: {  	s16 =	sshllo.u32 s31, $0x2;
	s14 =	sshrl.u32 s2, $0x3;
	s15 =	smul.u32 $0x500, s15  }
0x18: {  	s9 =	sor.u32 s4, s18;
	s17 =	sshll.u32 s16, $0x3;
	s16 =	smul.u32 $0x14000, s16  }
0x19: {  	s30 =	sadd.s32 $0xA00, s6;
	s6 =	simm.s32 $0x3F00;
	s9 =	smul.u32 $0x500, s9  }
0x1a: {  	s4 =	sor.u32 s4, s17;
	s3 =	sadd.s32 s19, s3;
	s17 =	smul.u32 $0x50000, s31  }
0x1b: {  	s31 =	smax.u32 s0, $0x1;
	s0 =	simm.s32 $0x4;
	[dreg:$0xc] =	wrdreg s3  }
0x1c: {  	s20 =	smul.u32 $0x500, s4;
	s22 =	sadd.s32 s19, s15;
	s15 =	sadd.s32 $0x15400, s5  }
0x1d: {  	s4 =	sshrl.u32 s24, $0x3;
	s5 =	sadd.s32 s2, s10;
	s21 =	sadd.s32 s19, s9  }
0x1e: {  	[dreg:$0xe] =	wrdreg s22;
	s18 =	sadd.s32 s25, s4;
	s9 =	sadd.s32 s2, s13  }
0x1f: {  	s13 =	smul.u32 $0x14000, s11;
	s2 =	simm.s32 $0xA0;
	s11 =	simm.s32 $0x1  }
0x20: {  	[dreg:$0xd] =	wrdreg s21;
	s3 =	sadd.s32 s19, s20;
	s19 =	sadd.s32 s15, s4  }
0x21: {  	s4 =	sshrl.u32 s8, $0x3;
	s10 =	sshrl.u32 s9, $0x3;
	s8 =	simm.s32 $0x0  }
0x22: {  	[dreg:$0xf] =	wrdreg s3;
	s3 =	sshrl.u32 s23, $0x3;
	s22 =	sadd.s32 s25, s4  }
0x23: {  	s23 =	sadd.s32 s15, s4;
	s24 =	sadd.s32 s25, s10;
	s26 =	sadd.s32 s25, s3  }
0x24: {  	_ =	strace $0x80000047;
	s3 =	sadd.s32 s15, s3;
	[dreg:$0x10] =	wrdreg s26  }
0x25: {  	v5 =	vlaneseq.u32;
	v4 =	vimm.f32 $0.0e+00;
	s4 =	simm.s32 $0x1F80;
	[dreg:$0x11] =	wrdreg s3;
	s3 =	sshrl.u32 s5, $0x3  }
0x26: {  	v6 =	vimm.f32 $1.000000000e+00;
	v5 =	vor.u32 $0x14000, v5;
	v1 =	vmov s12;
	s26 =	sadd.s32 s15, s14;
	s5 =	simm.s32 $0x3;
	s20 =	sadd.s32 s25, s3  }
0x27: {  	v3 =	vmov s16;
	v0 =	vmov s17;
	v2 =	vmov s13;
	s21 =	sadd.s32 s15, s3;
	s25 =	sadd.s32 s15, s10;
	s3 =	simm.s32 $0x18100  }
.LBB2_1:
0x28: {  	s9 =	rddreg [dreg:$0x5];
	s10 =	simm.s32 $0x17F80  }
0x29: {  	[tilespmem:s10], [sflag:$0x4] =	stream.linear.gather [hbm4b:s9+s1], $0x140, $0x38;
	[tilespmem:$0x1D100] =	vst v63  }
0x2a: {  	_ =	swait.ge [sflag:s0], $0x140  }
0x2b: {  	[sflag:s0] =	ssyncset.done $0x0  }
0x2c: {  	[sflag:s0] =	ssyncadd.s32 $0xFFFFFEC0  }
0x2d: {  	s13 =	rddreg [dreg:$0x2]  }
0x2e: {  	[tilespmem:s3], [sflag:$0x3] =	stream.indirect.gather [hbm4b:s13+s2], $0x80, s10, s2, $0xb8;
	[tilespmem:$0x1D100] =	vst v63  }
0x2f: {  	s14 =	rddreg [dreg:$0x6]  }
0x30: {  	[tilespmem:s1], [sflag:$0x4] =	stream.linear.gather [hbm4b:s14+s1], $0xFA0, $0x38;
	[tilespmem:$0x1D100] =	vst v63  }
0x31: {  	_ =	swait.ge [sflag:s0], $0xFA0  }
0x32: {  	[sflag:s0] =	ssyncset.done $0x0  }
0x33: {  	s16 =	rddreg [dreg:$0x10];
	[sflag:s0] =	ssyncadd.s32 $0xFFFFF060  }
0x34: {  	[tilespmem:s4], [sflag:$0x4] =	stream.linear.gather [hbm4b:s16+s1], $0xFA0, $0x38;
	[tilespmem:$0x1D100] =	vst v63  }
0x35: {  	_ =	swait.ge [sflag:s0], $0xFA0  }
0x36: {  	[sflag:s0] =	ssyncset.done $0x0  }
0x37: {  	s17 =	simm.s32 $0x40;
	[sflag:s0] =	ssyncadd.s32 $0xFFFFF060  }
0x38: {  	v7 =	vld [tilespmem:s17+$0x30]  }
0x39: {  	s13 =	simm.s32 $0x1FC0;
	v8 =	vld [tilespmem:s17+$0xFFFFFFD0]  }
0x3a: {  	v9 =	vld [tilespmem:s13+$0x30]  }
0x3b: {  	v10 =	vld [tilespmem:s17+$0xFFFFFFE0]  }
0x3c: {  	v11 =	vld [tilespmem:s17+$0xFFFFFFF0]  }
0x3d: {  	v15 =	vld [tilespmem:s17+$0x0]  }
0x3e: {  	v16 =	vld [tilespmem:s17+$0x10]  }
0x3f: {  	v17 =	vld [tilespmem:s17+$0x20]  }
0x40: {  	v13 =	vld [tilespmem:s17+$0xFFFFFFC0]  }
0x41: {  	v18 =	vld [tilespmem:s13+$0xFFFFFFC0]  }
0x42: {  	v19 =	vld [tilespmem:s13+$0xFFFFFFD0]  }
0x43: {  	v14 =	vld [tilespmem:s13+$0xFFFFFFE0];
	v7 =	vmul.u32 $0x2800, v7  }
0x44: {  	v12 =	vld [tilespmem:s13+$0xFFFFFFF0];
	v20 =	vmul.u32 $0x2800, v8  }
0x45: {  	v21 =	vmul.u32 $0x2800, v13;
	v13 =	vld [tilespmem:s13+$0x0];
	v11 =	vmul.u32 $0x2800, v11;
	v8 =	vadd.s32 v9, v7  }
0x46: {  	s12 =	simm.s32 $0x2F00;
	s9 =	simm.s32 $0x0;
	s10 =	simm.s32 $0xF70;
	v9 =	vmul.u32 $0x2800, v10;
	v10 =	vmul.u32 $0x2800, v15;
	v7 =	vmul.u32 $0x2800, v16;
	v15 =	vld [tilespmem:s13+$0x10]  }
0x47: {  	s14 =	simm.s32 $0xF80;
	s16 =	simm.s32 $0x1FC0;
	s17 =	simm.s32 $0xC0;
	v18 =	vadd.s32 v18, v21;
	v16 =	vld [tilespmem:s13+$0x20];
	[tilespmem:s13+$0x30] =	vst v8;
	v8 =	vmul.u32 $0x2800, v17;
	v17 =	vadd.s32 v19, v20  }
.LBB2_2:
0x48: {  	v19 =	vld [tilespmem:s17+$0x30];
	s9 =	sadd.s32 $0x80, s9;
	[tilespmem:s13+$0xFFFFFFC0] =	vst v18;
	v9 =	vadd.s32 v14, v9  }
0x49: {  	s13 =	sadd.s32 $0x80, s13;
	v14 =	vld [tilespmem:s17+$0xFFFFFFD0];
	p0 =	slt.u32 s9, $0xF00;
	[tilespmem:s16+$0xFFFFFFD0] =	vst v17;
	v11 =	vadd.s32 v12, v11  }
0x4a: {  	v12 =	vld [tilespmem:s13+$0x30];
	[tilespmem:s16+$0xFFFFFFE0] =	vst v9;
	v9 =	vadd.s32 v13, v10  }
0x4b: {  	v10 =	vld [tilespmem:s17+$0xFFFFFFE0];
	[tilespmem:s16+$0xFFFFFFF0] =	vst v11;
	v7 =	vadd.s32 v15, v7  }
0x4c: {  	v11 =	vld [tilespmem:s17+$0xFFFFFFF0];
	[tilespmem:s16+$0x0] =	vst v9;
	v8 =	vadd.s32 v16, v8  }
0x4d: {  	v13 =	vld [tilespmem:s17+$0x0];
	v9 =	vmul.u32 $0x2800, v19;
	[tilespmem:s16+$0x10] =	vst v7  }
0x4e: {  	v16 =	vmul.u32 $0x2800, v14;
	v7 =	vld [tilespmem:s17+$0x10];
	[tilespmem:s16+$0x20] =	vst v8;
	s16 =	smov.u32 s13  }
0x4f: {  	v8 =	vld [tilespmem:s17+$0x20];
	v12 =	vadd.s32 v12, v9  }
0x50: {  	v15 =	vld [tilespmem:s17+$0xFFFFFFC0];
	v9 =	vmul.u32 $0x2800, v10;
	[tilespmem:s13+$0x30] =	vst v12  }
0x51: {  	v17 =	vld [tilespmem:s13+$0xFFFFFFC0];
	v11 =	vmul.u32 $0x2800, v11  }
0x52: {  	v19 =	vld [tilespmem:s13+$0xFFFFFFD0];
	v10 =	vmul.u32 $0x2800, v13  }
.Ltmp0:
0x53: {  	v14 =	vld [tilespmem:s13+$0xFFFFFFE0];
	v7 =	vmul.u32 $0x2800, v7;
	(pc) =	sbr.rel @p0 .LBB2_2-.Ltmp0, $4  }
0x54: {  	v12 =	vld [tilespmem:s13+$0xFFFFFFF0];
	v8 =	vmul.u32 $0x2800, v8  }
0x55: {  	v18 =	vmul.u32 $0x2800, v15;
	v13 =	vld [tilespmem:s13+$0x0]  }
0x56: {  	v15 =	vld [tilespmem:s13+$0x10]  }
0x57: {  	s17 =	sadd.s32 $0x80, s17;
	v18 =	vadd.s32 v17, v18;
	v17 =	vadd.s32 v19, v16;
	v16 =	vld [tilespmem:s13+$0x20]  }
0x58: {  	[tilespmem:s13+$0xFFFFFFC0] =	vst v18  }
0x59: {  	v9 =	vadd.s32 v14, v9;
	[tilespmem:s16+$0xFFFFFFD0] =	vst v17  }
0x5a: {  	v11 =	vadd.s32 v12, v11;
	[tilespmem:s16+$0xFFFFFFE0] =	vst v9  }
0x5b: {  	v63 =	vadd.s32 v13, v10;
	[tilespmem:s16+$0xFFFFFFF0] =	vst v11  }
0x5c: {  	v7 =	vadd.s32 v15, v7;
	[tilespmem:s16+$0x0] =	vst v63  }
0x5d: {  	v8 =	vadd.s32 v16, v8;
	[tilespmem:s16+$0x10] =	vst v7  }
0x5e: {  	[tilespmem:s16+$0x20] =	vst v8  }
.LBB2_4:
0x5f: {  	v7 =	vld [tilespmem:s14+$0x0];
	_ =	sdelay $0x1  }
0x60: {  	v8 =	vld [tilespmem:s12+$0x0];
	s10 =	sadd.s32 $0x10, s10  }
0x61: {  	p0 =	slt.u32 s10, $0xF90  }
.Ltmp1:
0x62: {  	_ = 	snop;
	(pc) =	sbr.rel @p0 .LBB2_4-.Ltmp1, $3  }
0x63: {  	v7 =	vmul.u32 $0x2800, v7;
	_ =	sdelay $0x1  }
0x64: {  	v7 =	vadd.s32 v8, v7  }
0x65: {  	s14 =	sadd.s32 $0x10, s14;
	[tilespmem:s12+$0x0] =	vst v7;
	s12 =	sadd.s32 $0x10, s12  }
0x66: {  	s9 =	rddreg [dreg:$0x11]  }
0x67: {  	[hbm4b:s9+s1] =	stream.linear.scatter [tilespmem:s4], [sflag:$0x4], $0xFA0, $0x38;
	[tilespmem:$0x1D100] =	vst v63  }
0x68: {  	_ =	swait.ge [sflag:s0], $0xFA0  }
0x69: {  	[sflag:s0] =	ssyncset.done $0x0  }
0x6a: {  	s16 =	rddreg [dreg:$0x7];
	[sflag:s0] =	ssyncadd.s32 $0xFFFFF060  }
0x6b: {  	[tilespmem:s1], [sflag:$0x4] =	stream.linear.gather [hbm4b:s16+s1], $0xFA0, $0x38;
	[tilespmem:$0x1D100] =	vst v63  }
0x6c: {  	_ =	swait.ge [sflag:s0], $0xFA0  }
0x6d: {  	[sflag:s0] =	ssyncset.done $0x0  }
0x6e: {  	[sflag:s0] =	ssyncadd.s32 $0xFFFFF060  }
0x6f: {  	[tilespmem:s4], [sflag:$0x4] =	stream.linear.gather [hbm4b:s18+s1], $0xFA0, $0x38;
	[tilespmem:$0x1D100] =	vst v63  }
0x70: {  	_ =	swait.ge [sflag:s0], $0xFA0  }
0x71: {  	[sflag:s0] =	ssyncset.done $0x0  }
0x72: {  	s17 =	simm.s32 $0x40;
	[sflag:s0] =	ssyncadd.s32 $0xFFFFF060  }
0x73: {  	v7 =	vld [tilespmem:s17+$0x30]  }
0x74: {  	s10 =	simm.s32 $0x1FC0;
	v8 =	vld [tilespmem:s17+$0xFFFFFFD0]  }
0x75: {  	v9 =	vld [tilespmem:s10+$0x30]  }
0x76: {  	v10 =	vld [tilespmem:s17+$0xFFFFFFE0]  }
0x77: {  	v11 =	vld [tilespmem:s17+$0xFFFFFFF0]  }
0x78: {  	v14 =	vld [tilespmem:s17+$0x0]  }
0x79: {  	v16 =	vld [tilespmem:s17+$0x10]  }
0x7a: {  	v17 =	vld [tilespmem:s17+$0x20]  }
0x7b: {  	v13 =	vld [tilespmem:s17+$0xFFFFFFC0]  }
0x7c: {  	v18 =	vld [tilespmem:s10+$0xFFFFFFC0]  }
0x7d: {  	v19 =	vld [tilespmem:s10+$0xFFFFFFD0]  }
0x7e: {  	v15 =	vld [tilespmem:s10+$0xFFFFFFE0];
	v7 =	vmul.u32 $0x2800, v7  }
0x7f: {  	v12 =	vld [tilespmem:s10+$0xFFFFFFF0];
	v20 =	vmul.u32 $0x2800, v8  }
0x80: {  	v21 =	vmul.u32 $0x2800, v13;
	v13 =	vld [tilespmem:s10+$0x0];
	v11 =	vmul.u32 $0x2800, v11;
	v8 =	vadd.s32 v9, v7  }
0x81: {  	v9 =	vmul.u32 $0x2800, v10;
	v10 =	vmul.u32 $0x2800, v14;
	v7 =	vmul.u32 $0x2800, v16;
	v14 =	vld [tilespmem:s10+$0x10]  }
0x82: {  	s13 =	simm.s32 $0xC0;
	s12 =	simm.s32 $0x1FC0;
	s9 =	simm.s32 $0x0;
	v18 =	vadd.s32 v18, v21;
	v16 =	vld [tilespmem:s10+$0x20];
	[tilespmem:s10+$0x30] =	vst v8;
	v8 =	vmul.u32 $0x2800, v17;
	v17 =	vadd.s32 v19, v20  }
.LBB2_6:
0x83: {  	v19 =	vld [tilespmem:s13+$0x30];
	s9 =	sadd.s32 $0x80, s9;
	[tilespmem:s10+$0xFFFFFFC0] =	vst v18;
	v9 =	vadd.s32 v15, v9  }
0x84: {  	s10 =	sadd.s32 $0x80, s10;
	v15 =	vld [tilespmem:s13+$0xFFFFFFD0];
	p0 =	slt.u32 s9, $0xF00;
	[tilespmem:s12+$0xFFFFFFD0] =	vst v17;
	v11 =	vadd.s32 v12, v11  }
0x85: {  	v12 =	vld [tilespmem:s10+$0x30];
	[tilespmem:s12+$0xFFFFFFE0] =	vst v9;
	v9 =	vadd.s32 v13, v10  }
0x86: {  	v10 =	vld [tilespmem:s13+$0xFFFFFFE0];
	[tilespmem:s12+$0xFFFFFFF0] =	vst v11;
	v7 =	vadd.s32 v14, v7  }
0x87: {  	v11 =	vld [tilespmem:s13+$0xFFFFFFF0];
	[tilespmem:s12+$0x0] =	vst v9;
	v8 =	vadd.s32 v16, v8  }
0x88: {  	v13 =	vld [tilespmem:s13+$0x0];
	v9 =	vmul.u32 $0x2800, v19;
	[tilespmem:s12+$0x10] =	vst v7  }
0x89: {  	v16 =	vmul.u32 $0x2800, v15;
	v7 =	vld [tilespmem:s13+$0x10];
	[tilespmem:s12+$0x20] =	vst v8;
	s12 =	smov.u32 s10  }
0x8a: {  	v8 =	vld [tilespmem:s13+$0x20];
	v12 =	vadd.s32 v12, v9  }
0x8b: {  	s14 =	simm.s32 $0xF70;
	s16 =	simm.s32 $0x2F00;
	s17 =	simm.s32 $0xF80;
	v14 =	vld [tilespmem:s13+$0xFFFFFFC0];
	v9 =	vmul.u32 $0x2800, v10;
	[tilespmem:s10+$0x30] =	vst v12  }
0x8c: {  	v17 =	vld [tilespmem:s10+$0xFFFFFFC0];
	v11 =	vmul.u32 $0x2800, v11  }
0x8d: {  	v19 =	vld [tilespmem:s10+$0xFFFFFFD0];
	v10 =	vmul.u32 $0x2800, v13  }
.Ltmp2:
0x8e: {  	v15 =	vld [tilespmem:s10+$0xFFFFFFE0];
	v7 =	vmul.u32 $0x2800, v7;
	(pc) =	sbr.rel @p0 .LBB2_6-.Ltmp2, $4  }
0x8f: {  	v12 =	vld [tilespmem:s10+$0xFFFFFFF0];
	v8 =	vmul.u32 $0x2800, v8  }
0x90: {  	v18 =	vmul.u32 $0x2800, v14;
	v13 =	vld [tilespmem:s10+$0x0]  }
0x91: {  	v14 =	vld [tilespmem:s10+$0x10]  }
0x92: {  	s13 =	sadd.s32 $0x80, s13;
	v18 =	vadd.s32 v17, v18;
	v17 =	vadd.s32 v19, v16;
	v16 =	vld [tilespmem:s10+$0x20]  }
0x93: {  	[tilespmem:s10+$0xFFFFFFC0] =	vst v18  }
0x94: {  	v9 =	vadd.s32 v15, v9;
	[tilespmem:s12+$0xFFFFFFD0] =	vst v17  }
0x95: {  	v11 =	vadd.s32 v12, v11;
	[tilespmem:s12+$0xFFFFFFE0] =	vst v9  }
0x96: {  	v63 =	vadd.s32 v13, v10;
	[tilespmem:s12+$0xFFFFFFF0] =	vst v11  }
0x97: {  	v7 =	vadd.s32 v14, v7;
	[tilespmem:s12+$0x0] =	vst v63  }
0x98: {  	v8 =	vadd.s32 v16, v8;
	[tilespmem:s12+$0x10] =	vst v7  }
0x99: {  	[tilespmem:s12+$0x20] =	vst v8  }
.LBB2_8:
0x9a: {  	v7 =	vld [tilespmem:s17+$0x0];
	_ =	sdelay $0x1  }
0x9b: {  	v8 =	vld [tilespmem:s16+$0x0];
	s14 =	sadd.s32 $0x10, s14  }
0x9c: {  	p0 =	slt.u32 s14, $0xF90  }
.Ltmp3:
0x9d: {  	_ = 	snop;
	(pc) =	sbr.rel @p0 .LBB2_8-.Ltmp3, $3  }
0x9e: {  	v7 =	vmul.u32 $0x2800, v7;
	_ =	sdelay $0x1  }
0x9f: {  	v7 =	vadd.s32 v8, v7  }
0xa0: {  	s17 =	sadd.s32 $0x10, s17;
	[tilespmem:s16+$0x0] =	vst v7;
	s16 =	sadd.s32 $0x10, s16  }
0xa1: {  	[hbm4b:s19+s1] =	stream.linear.scatter [tilespmem:s4], [sflag:$0x4], $0xFA0, $0x38;
	[tilespmem:$0x1D100] =	vst v63  }
0xa2: {  	_ =	swait.ge [sflag:s0], $0xFA0  }
0xa3: {  	[sflag:s0] =	ssyncset.done $0x0  }
0xa4: {  	s9 =	rddreg [dreg:$0x8];
	[sflag:s0] =	ssyncadd.s32 $0xFFFFF060  }
0xa5: {  	[tilespmem:s1], [sflag:$0x4] =	stream.linear.gather [hbm4b:s9+s1], $0xFA0, $0x38;
	[tilespmem:$0x1D100] =	vst v63  }
0xa6: {  	_ =	swait.ge [sflag:s0], $0xFA0  }
0xa7: {  	[sflag:s0] =	ssyncset.done $0x0  }
0xa8: {  	[sflag:s0] =	ssyncadd.s32 $0xFFFFF060  }
0xa9: {  	[tilespmem:s4], [sflag:$0x4] =	stream.linear.gather [hbm4b:s20+s1], $0xFA0, $0x38;
	[tilespmem:$0x1D100] =	vst v63  }
0xaa: {  	_ =	swait.ge [sflag:s0], $0xFA0  }
0xab: {  	[sflag:s0] =	ssyncset.done $0x0  }
0xac: {  	s17 =	simm.s32 $0x40;
	[sflag:s0] =	ssyncadd.s32 $0xFFFFF060  }
0xad: {  	v7 =	vld [tilespmem:s17+$0x30]  }
0xae: {  	s10 =	simm.s32 $0x1FC0;
	v8 =	vld [tilespmem:s17+$0xFFFFFFD0]  }
0xaf: {  	v9 =	vld [tilespmem:s10+$0x30]  }
0xb0: {  	v10 =	vld [tilespmem:s17+$0xFFFFFFE0]  }
0xb1: {  	v11 =	vld [tilespmem:s17+$0xFFFFFFF0]  }
0xb2: {  	v14 =	vld [tilespmem:s17+$0x0]  }
0xb3: {  	v16 =	vld [tilespmem:s17+$0x10]  }
0xb4: {  	v17 =	vld [tilespmem:s17+$0x20]  }
0xb5: {  	v13 =	vld [tilespmem:s17+$0xFFFFFFC0]  }
0xb6: {  	v18 =	vld [tilespmem:s10+$0xFFFFFFC0]  }
0xb7: {  	v19 =	vld [tilespmem:s10+$0xFFFFFFD0]  }
0xb8: {  	v15 =	vld [tilespmem:s10+$0xFFFFFFE0];
	v7 =	vmul.u32 $0x2800, v7  }
0xb9: {  	v12 =	vld [tilespmem:s10+$0xFFFFFFF0];
	v20 =	vmul.u32 $0x2800, v8  }
0xba: {  	v21 =	vmul.u32 $0x2800, v13;
	v13 =	vld [tilespmem:s10+$0x0];
	v11 =	vmul.u32 $0x2800, v11;
	v8 =	vadd.s32 v9, v7  }
0xbb: {  	v9 =	vmul.u32 $0x2800, v10;
	v10 =	vmul.u32 $0x2800, v14;
	v7 =	vmul.u32 $0x2800, v16;
	v14 =	vld [tilespmem:s10+$0x10]  }
0xbc: {  	s13 =	simm.s32 $0xC0;
	s12 =	simm.s32 $0x1FC0;
	s9 =	simm.s32 $0x0;
	v18 =	vadd.s32 v18, v21;
	v16 =	vld [tilespmem:s10+$0x20];
	[tilespmem:s10+$0x30] =	vst v8;
	v8 =	vmul.u32 $0x2800, v17;
	v17 =	vadd.s32 v19, v20  }
.LBB2_10:
0xbd: {  	v19 =	vld [tilespmem:s13+$0x30];
	s9 =	sadd.s32 $0x80, s9;
	[tilespmem:s10+$0xFFFFFFC0] =	vst v18;
	v9 =	vadd.s32 v15, v9  }
0xbe: {  	s10 =	sadd.s32 $0x80, s10;
	v15 =	vld [tilespmem:s13+$0xFFFFFFD0];
	p0 =	slt.u32 s9, $0xF00;
	[tilespmem:s12+$0xFFFFFFD0] =	vst v17;
	v11 =	vadd.s32 v12, v11  }
0xbf: {  	v12 =	vld [tilespmem:s10+$0x30];
	[tilespmem:s12+$0xFFFFFFE0] =	vst v9;
	v9 =	vadd.s32 v13, v10  }
0xc0: {  	v10 =	vld [tilespmem:s13+$0xFFFFFFE0];
	[tilespmem:s12+$0xFFFFFFF0] =	vst v11;
	v7 =	vadd.s32 v14, v7  }
0xc1: {  	v11 =	vld [tilespmem:s13+$0xFFFFFFF0];
	[tilespmem:s12+$0x0] =	vst v9;
	v8 =	vadd.s32 v16, v8  }
0xc2: {  	v13 =	vld [tilespmem:s13+$0x0];
	v9 =	vmul.u32 $0x2800, v19;
	[tilespmem:s12+$0x10] =	vst v7  }
0xc3: {  	v16 =	vmul.u32 $0x2800, v15;
	v7 =	vld [tilespmem:s13+$0x10];
	[tilespmem:s12+$0x20] =	vst v8;
	s12 =	smov.u32 s10  }
0xc4: {  	v8 =	vld [tilespmem:s13+$0x20];
	v12 =	vadd.s32 v12, v9  }
0xc5: {  	s14 =	simm.s32 $0xF70;
	s16 =	simm.s32 $0x2F00;
	s17 =	simm.s32 $0xF80;
	v14 =	vld [tilespmem:s13+$0xFFFFFFC0];
	v9 =	vmul.u32 $0x2800, v10;
	[tilespmem:s10+$0x30] =	vst v12  }
0xc6: {  	v17 =	vld [tilespmem:s10+$0xFFFFFFC0];
	v11 =	vmul.u32 $0x2800, v11  }
0xc7: {  	v19 =	vld [tilespmem:s10+$0xFFFFFFD0];
	v10 =	vmul.u32 $0x2800, v13  }
.Ltmp4:
0xc8: {  	v15 =	vld [tilespmem:s10+$0xFFFFFFE0];
	v7 =	vmul.u32 $0x2800, v7;
	(pc) =	sbr.rel @p0 .LBB2_10-.Ltmp4, $4  }
0xc9: {  	v12 =	vld [tilespmem:s10+$0xFFFFFFF0];
	v8 =	vmul.u32 $0x2800, v8  }
0xca: {  	v18 =	vmul.u32 $0x2800, v14;
	v13 =	vld [tilespmem:s10+$0x0]  }
0xcb: {  	v14 =	vld [tilespmem:s10+$0x10]  }
0xcc: {  	s13 =	sadd.s32 $0x80, s13;
	v18 =	vadd.s32 v17, v18;
	v17 =	vadd.s32 v19, v16;
	v16 =	vld [tilespmem:s10+$0x20]  }
0xcd: {  	[tilespmem:s10+$0xFFFFFFC0] =	vst v18  }
0xce: {  	v9 =	vadd.s32 v15, v9;
	[tilespmem:s12+$0xFFFFFFD0] =	vst v17  }
0xcf: {  	v11 =	vadd.s32 v12, v11;
	[tilespmem:s12+$0xFFFFFFE0] =	vst v9  }
0xd0: {  	v63 =	vadd.s32 v13, v10;
	[tilespmem:s12+$0xFFFFFFF0] =	vst v11  }
0xd1: {  	v7 =	vadd.s32 v14, v7;
	[tilespmem:s12+$0x0] =	vst v63  }
0xd2: {  	v8 =	vadd.s32 v16, v8;
	[tilespmem:s12+$0x10] =	vst v7  }
0xd3: {  	[tilespmem:s12+$0x20] =	vst v8  }
.LBB2_12:
0xd4: {  	v7 =	vld [tilespmem:s17+$0x0];
	_ =	sdelay $0x1  }
0xd5: {  	v8 =	vld [tilespmem:s16+$0x0];
	s14 =	sadd.s32 $0x10, s14  }
0xd6: {  	p0 =	slt.u32 s14, $0xF90  }
.Ltmp5:
0xd7: {  	_ = 	snop;
	(pc) =	sbr.rel @p0 .LBB2_12-.Ltmp5, $3  }
0xd8: {  	v7 =	vmul.u32 $0x2800, v7;
	_ =	sdelay $0x1  }
0xd9: {  	v7 =	vadd.s32 v8, v7  }
0xda: {  	s17 =	sadd.s32 $0x10, s17;
	[tilespmem:s16+$0x0] =	vst v7;
	s16 =	sadd.s32 $0x10, s16  }
0xdb: {  	[hbm4b:s21+s1] =	stream.linear.scatter [tilespmem:s4], [sflag:$0x4], $0xFA0, $0x38;
	[tilespmem:$0x1D100] =	vst v63  }
0xdc: {  	_ =	swait.ge [sflag:s0], $0xFA0  }
0xdd: {  	[sflag:s0] =	ssyncset.done $0x0  }
0xde: {  	s9 =	rddreg [dreg:$0x9];
	[sflag:s0] =	ssyncadd.s32 $0xFFFFF060  }
0xdf: {  	[tilespmem:s1], [sflag:$0x4] =	stream.linear.gather [hbm4b:s9+s1], $0xFA0, $0x38;
	[tilespmem:$0x1D100] =	vst v63  }
0xe0: {  	_ =	swait.ge [sflag:s0], $0xFA0  }
0xe1: {  	[sflag:s0] =	ssyncset.done $0x0  }
0xe2: {  	[sflag:s0] =	ssyncadd.s32 $0xFFFFF060  }
0xe3: {  	[tilespmem:s4], [sflag:$0x4] =	stream.linear.gather [hbm4b:s22+s1], $0xFA0, $0x38;
	[tilespmem:$0x1D100] =	vst v63  }
0xe4: {  	_ =	swait.ge [sflag:s0], $0xFA0  }
0xe5: {  	[sflag:s0] =	ssyncset.done $0x0  }
0xe6: {  	s17 =	simm.s32 $0x40;
	[sflag:s0] =	ssyncadd.s32 $0xFFFFF060  }
0xe7: {  	v7 =	vld [tilespmem:s17+$0x30]  }
0xe8: {  	s10 =	simm.s32 $0x1FC0;
	v8 =	vld [tilespmem:s17+$0xFFFFFFD0]  }
0xe9: {  	v9 =	vld [tilespmem:s10+$0x30]  }
0xea: {  	v10 =	vld [tilespmem:s17+$0xFFFFFFE0]  }
0xeb: {  	v11 =	vld [tilespmem:s17+$0xFFFFFFF0]  }
0xec: {  	v14 =	vld [tilespmem:s17+$0x0]  }
0xed: {  	v16 =	vld [tilespmem:s17+$0x10]  }
0xee: {  	v17 =	vld [tilespmem:s17+$0x20]  }
0xef: {  	v13 =	vld [tilespmem:s17+$0xFFFFFFC0]  }
0xf0: {  	v18 =	vld [tilespmem:s10+$0xFFFFFFC0]  }
0xf1: {  	v19 =	vld [tilespmem:s10+$0xFFFFFFD0]  }
0xf2: {  	v15 =	vld [tilespmem:s10+$0xFFFFFFE0];
	v7 =	vmul.u32 $0x2800, v7  }
0xf3: {  	v12 =	vld [tilespmem:s10+$0xFFFFFFF0];
	v20 =	vmul.u32 $0x2800, v8  }
0xf4: {  	v21 =	vmul.u32 $0x2800, v13;
	v13 =	vld [tilespmem:s10+$0x0];
	v11 =	vmul.u32 $0x2800, v11;
	v8 =	vadd.s32 v9, v7  }
0xf5: {  	v9 =	vmul.u32 $0x2800, v10;
	v10 =	vmul.u32 $0x2800, v14;
	v7 =	vmul.u32 $0x2800, v16;
	v14 =	vld [tilespmem:s10+$0x10]  }
0xf6: {  	s13 =	simm.s32 $0xC0;
	s12 =	simm.s32 $0x1FC0;
	s9 =	simm.s32 $0x0;
	v18 =	vadd.s32 v18, v21;
	v16 =	vld [tilespmem:s10+$0x20];
	[tilespmem:s10+$0x30] =	vst v8;
	v8 =	vmul.u32 $0x2800, v17;
	v17 =	vadd.s32 v19, v20  }
.LBB2_14:
0xf7: {  	v19 =	vld [tilespmem:s13+$0x30];
	s9 =	sadd.s32 $0x80, s9;
	[tilespmem:s10+$0xFFFFFFC0] =	vst v18;
	v9 =	vadd.s32 v15, v9  }
0xf8: {  	s10 =	sadd.s32 $0x80, s10;
	v15 =	vld [tilespmem:s13+$0xFFFFFFD0];
	p0 =	slt.u32 s9, $0xF00;
	[tilespmem:s12+$0xFFFFFFD0] =	vst v17;
	v11 =	vadd.s32 v12, v11  }
0xf9: {  	v12 =	vld [tilespmem:s10+$0x30];
	[tilespmem:s12+$0xFFFFFFE0] =	vst v9;
	v9 =	vadd.s32 v13, v10  }
0xfa: {  	v10 =	vld [tilespmem:s13+$0xFFFFFFE0];
	[tilespmem:s12+$0xFFFFFFF0] =	vst v11;
	v7 =	vadd.s32 v14, v7  }
0xfb: {  	v11 =	vld [tilespmem:s13+$0xFFFFFFF0];
	[tilespmem:s12+$0x0] =	vst v9;
	v8 =	vadd.s32 v16, v8  }
0xfc: {  	v13 =	vld [tilespmem:s13+$0x0];
	v9 =	vmul.u32 $0x2800, v19;
	[tilespmem:s12+$0x10] =	vst v7  }
0xfd: {  	v16 =	vmul.u32 $0x2800, v15;
	v7 =	vld [tilespmem:s13+$0x10];
	[tilespmem:s12+$0x20] =	vst v8;
	s12 =	smov.u32 s10  }
0xfe: {  	v8 =	vld [tilespmem:s13+$0x20];
	v12 =	vadd.s32 v12, v9  }
0xff: {  	s14 =	simm.s32 $0xF70;
	s16 =	simm.s32 $0x2F00;
	s17 =	simm.s32 $0xF80;
	v14 =	vld [tilespmem:s13+$0xFFFFFFC0];
	v9 =	vmul.u32 $0x2800, v10;
	[tilespmem:s10+$0x30] =	vst v12  }
0x100: {  	v17 =	vld [tilespmem:s10+$0xFFFFFFC0];
	v11 =	vmul.u32 $0x2800, v11  }
0x101: {  	v19 =	vld [tilespmem:s10+$0xFFFFFFD0];
	v10 =	vmul.u32 $0x2800, v13  }
.Ltmp6:
0x102: {  	v15 =	vld [tilespmem:s10+$0xFFFFFFE0];
	v7 =	vmul.u32 $0x2800, v7;
	(pc) =	sbr.rel @p0 .LBB2_14-.Ltmp6, $4  }
0x103: {  	v12 =	vld [tilespmem:s10+$0xFFFFFFF0];
	v8 =	vmul.u32 $0x2800, v8  }
0x104: {  	v18 =	vmul.u32 $0x2800, v14;
	v13 =	vld [tilespmem:s10+$0x0]  }
0x105: {  	v14 =	vld [tilespmem:s10+$0x10]  }
0x106: {  	s13 =	sadd.s32 $0x80, s13;
	v18 =	vadd.s32 v17, v18;
	v17 =	vadd.s32 v19, v16;
	v16 =	vld [tilespmem:s10+$0x20]  }
0x107: {  	[tilespmem:s10+$0xFFFFFFC0] =	vst v18  }
0x108: {  	v9 =	vadd.s32 v15, v9;
	[tilespmem:s12+$0xFFFFFFD0] =	vst v17  }
0x109: {  	v11 =	vadd.s32 v12, v11;
	[tilespmem:s12+$0xFFFFFFE0] =	vst v9  }
0x10a: {  	v63 =	vadd.s32 v13, v10;
	[tilespmem:s12+$0xFFFFFFF0] =	vst v11  }
0x10b: {  	v7 =	vadd.s32 v14, v7;
	[tilespmem:s12+$0x0] =	vst v63  }
0x10c: {  	v8 =	vadd.s32 v16, v8;
	[tilespmem:s12+$0x10] =	vst v7  }
0x10d: {  	[tilespmem:s12+$0x20] =	vst v8  }
.LBB2_16:
0x10e: {  	v7 =	vld [tilespmem:s17+$0x0];
	_ =	sdelay $0x1  }
0x10f: {  	v8 =	vld [tilespmem:s16+$0x0];
	s14 =	sadd.s32 $0x10, s14  }
0x110: {  	p0 =	slt.u32 s14, $0xF90  }
.Ltmp7:
0x111: {  	_ = 	snop;
	(pc) =	sbr.rel @p0 .LBB2_16-.Ltmp7, $3  }
0x112: {  	v7 =	vmul.u32 $0x2800, v7;
	_ =	sdelay $0x1  }
0x113: {  	v7 =	vadd.s32 v8, v7  }
0x114: {  	s17 =	sadd.s32 $0x10, s17;
	[tilespmem:s16+$0x0] =	vst v7;
	s16 =	sadd.s32 $0x10, s16  }
0x115: {  	[hbm4b:s23+s1] =	stream.linear.scatter [tilespmem:s4], [sflag:$0x4], $0xFA0, $0x38;
	[tilespmem:$0x1D100] =	vst v63  }
0x116: {  	_ =	swait.ge [sflag:s0], $0xFA0  }
0x117: {  	[sflag:s0] =	ssyncset.done $0x0  }
0x118: {  	s9 =	rddreg [dreg:$0xa];
	[sflag:s0] =	ssyncadd.s32 $0xFFFFF060  }
0x119: {  	[tilespmem:s1], [sflag:$0x4] =	stream.linear.gather [hbm4b:s9+s1], $0xFA0, $0x38;
	[tilespmem:$0x1D100] =	vst v63  }
0x11a: {  	_ =	swait.ge [sflag:s0], $0xFA0  }
0x11b: {  	[sflag:s0] =	ssyncset.done $0x0  }
0x11c: {  	[sflag:s0] =	ssyncadd.s32 $0xFFFFF060  }
0x11d: {  	[tilespmem:s4], [sflag:$0x4] =	stream.linear.gather [hbm4b:s24+s1], $0xFA0, $0x38;
	[tilespmem:$0x1D100] =	vst v63  }
0x11e: {  	_ =	swait.ge [sflag:s0], $0xFA0  }
0x11f: {  	[sflag:s0] =	ssyncset.done $0x0  }
0x120: {  	s17 =	simm.s32 $0x40;
	[sflag:s0] =	ssyncadd.s32 $0xFFFFF060  }
0x121: {  	v7 =	vld [tilespmem:s17+$0x30]  }
0x122: {  	s10 =	simm.s32 $0x1FC0;
	v8 =	vld [tilespmem:s17+$0xFFFFFFD0]  }
0x123: {  	v9 =	vld [tilespmem:s10+$0x30]  }
0x124: {  	v10 =	vld [tilespmem:s17+$0xFFFFFFE0]  }
0x125: {  	v11 =	vld [tilespmem:s17+$0xFFFFFFF0]  }
0x126: {  	v14 =	vld [tilespmem:s17+$0x0]  }
0x127: {  	v16 =	vld [tilespmem:s17+$0x10]  }
0x128: {  	v17 =	vld [tilespmem:s17+$0x20]  }
0x129: {  	v13 =	vld [tilespmem:s17+$0xFFFFFFC0]  }
0x12a: {  	v18 =	vld [tilespmem:s10+$0xFFFFFFC0]  }
0x12b: {  	v19 =	vld [tilespmem:s10+$0xFFFFFFD0]  }
0x12c: {  	v15 =	vld [tilespmem:s10+$0xFFFFFFE0];
	v7 =	vmul.u32 $0x2800, v7  }
0x12d: {  	v12 =	vld [tilespmem:s10+$0xFFFFFFF0];
	v20 =	vmul.u32 $0x2800, v8  }
0x12e: {  	v21 =	vmul.u32 $0x2800, v13;
	v13 =	vld [tilespmem:s10+$0x0];
	v11 =	vmul.u32 $0x2800, v11;
	v8 =	vadd.s32 v9, v7  }
0x12f: {  	v9 =	vmul.u32 $0x2800, v10;
	v10 =	vmul.u32 $0x2800, v14;
	v7 =	vmul.u32 $0x2800, v16;
	v14 =	vld [tilespmem:s10+$0x10]  }
0x130: {  	s13 =	simm.s32 $0xC0;
	s12 =	simm.s32 $0x1FC0;
	s9 =	simm.s32 $0x0;
	v18 =	vadd.s32 v18, v21;
	v16 =	vld [tilespmem:s10+$0x20];
	[tilespmem:s10+$0x30] =	vst v8;
	v8 =	vmul.u32 $0x2800, v17;
	v17 =	vadd.s32 v19, v20  }
.LBB2_18:
0x131: {  	v19 =	vld [tilespmem:s13+$0x30];
	s9 =	sadd.s32 $0x80, s9;
	[tilespmem:s10+$0xFFFFFFC0] =	vst v18;
	v9 =	vadd.s32 v15, v9  }
0x132: {  	s10 =	sadd.s32 $0x80, s10;
	v15 =	vld [tilespmem:s13+$0xFFFFFFD0];
	p0 =	slt.u32 s9, $0xF00;
	[tilespmem:s12+$0xFFFFFFD0] =	vst v17;
	v11 =	vadd.s32 v12, v11  }
0x133: {  	v12 =	vld [tilespmem:s10+$0x30];
	[tilespmem:s12+$0xFFFFFFE0] =	vst v9;
	v9 =	vadd.s32 v13, v10  }
0x134: {  	v10 =	vld [tilespmem:s13+$0xFFFFFFE0];
	[tilespmem:s12+$0xFFFFFFF0] =	vst v11;
	v7 =	vadd.s32 v14, v7  }
0x135: {  	v11 =	vld [tilespmem:s13+$0xFFFFFFF0];
	[tilespmem:s12+$0x0] =	vst v9;
	v8 =	vadd.s32 v16, v8  }
0x136: {  	v13 =	vld [tilespmem:s13+$0x0];
	v9 =	vmul.u32 $0x2800, v19;
	[tilespmem:s12+$0x10] =	vst v7  }
0x137: {  	v16 =	vmul.u32 $0x2800, v15;
	v7 =	vld [tilespmem:s13+$0x10];
	[tilespmem:s12+$0x20] =	vst v8;
	s12 =	smov.u32 s10  }
0x138: {  	v8 =	vld [tilespmem:s13+$0x20];
	v12 =	vadd.s32 v12, v9  }
0x139: {  	s14 =	simm.s32 $0xF70;
	s16 =	simm.s32 $0x2F00;
	s17 =	simm.s32 $0xF80;
	v14 =	vld [tilespmem:s13+$0xFFFFFFC0];
	v9 =	vmul.u32 $0x2800, v10;
	[tilespmem:s10+$0x30] =	vst v12  }
0x13a: {  	v17 =	vld [tilespmem:s10+$0xFFFFFFC0];
	v11 =	vmul.u32 $0x2800, v11  }
0x13b: {  	v19 =	vld [tilespmem:s10+$0xFFFFFFD0];
	v10 =	vmul.u32 $0x2800, v13  }
.Ltmp8:
0x13c: {  	v15 =	vld [tilespmem:s10+$0xFFFFFFE0];
	v7 =	vmul.u32 $0x2800, v7;
	(pc) =	sbr.rel @p0 .LBB2_18-.Ltmp8, $4  }
0x13d: {  	v12 =	vld [tilespmem:s10+$0xFFFFFFF0];
	v8 =	vmul.u32 $0x2800, v8  }
0x13e: {  	v18 =	vmul.u32 $0x2800, v14;
	v13 =	vld [tilespmem:s10+$0x0]  }
0x13f: {  	v14 =	vld [tilespmem:s10+$0x10]  }
0x140: {  	s13 =	sadd.s32 $0x80, s13;
	v18 =	vadd.s32 v17, v18;
	v17 =	vadd.s32 v19, v16;
	v16 =	vld [tilespmem:s10+$0x20]  }
0x141: {  	[tilespmem:s10+$0xFFFFFFC0] =	vst v18  }
0x142: {  	v9 =	vadd.s32 v15, v9;
	[tilespmem:s12+$0xFFFFFFD0] =	vst v17  }
0x143: {  	v11 =	vadd.s32 v12, v11;
	[tilespmem:s12+$0xFFFFFFE0] =	vst v9  }
0x144: {  	v63 =	vadd.s32 v13, v10;
	[tilespmem:s12+$0xFFFFFFF0] =	vst v11  }
0x145: {  	v7 =	vadd.s32 v14, v7;
	[tilespmem:s12+$0x0] =	vst v63  }
0x146: {  	v8 =	vadd.s32 v16, v8;
	[tilespmem:s12+$0x10] =	vst v7  }
0x147: {  	[tilespmem:s12+$0x20] =	vst v8  }
.LBB2_20:
0x148: {  	v7 =	vld [tilespmem:s17+$0x0];
	_ =	sdelay $0x1  }
0x149: {  	v8 =	vld [tilespmem:s16+$0x0];
	s14 =	sadd.s32 $0x10, s14  }
0x14a: {  	p0 =	slt.u32 s14, $0xF90  }
.Ltmp9:
0x14b: {  	_ = 	snop;
	(pc) =	sbr.rel @p0 .LBB2_20-.Ltmp9, $3  }
0x14c: {  	v7 =	vmul.u32 $0x2800, v7;
	_ =	sdelay $0x1  }
0x14d: {  	v7 =	vadd.s32 v8, v7  }
0x14e: {  	s17 =	sadd.s32 $0x10, s17;
	[tilespmem:s16+$0x0] =	vst v7;
	s16 =	sadd.s32 $0x10, s16  }
0x14f: {  	[hbm4b:s25+s1] =	stream.linear.scatter [tilespmem:s4], [sflag:$0x4], $0xFA0, $0x38;
	[tilespmem:$0x1D100] =	vst v63  }
0x150: {  	_ =	swait.ge [sflag:s0], $0xFA0  }
0x151: {  	[sflag:s0] =	ssyncset.done $0x0  }
0x152: {  	[sflag:s0] =	ssyncadd.s32 $0xFFFFF060  }
0x153: {  	_ =	swait.ge [sflag:s5], $0x5000  }
0x154: {  	[sflag:s5] =	ssyncset.done $0x0  }
0x155: {  	s9 =	rddreg [dreg:$0xb];
	[sflag:s5] =	ssyncadd.s32 $0xFFFFB000  }
0x156: {  	[hbm4b:s9+s1] =	stream.linear.scatter [tilespmem:s3], [sflag:$0x4], $0x5000, $0x38;
	[tilespmem:$0x1D100] =	vst v63  }
0x157: {  	_ =	swait.ge [sflag:s0], $0x5000  }
0x158: {  	[sflag:s0] =	ssyncset.done $0x0  }
0x159: {  	[sflag:s0] =	ssyncadd.s32 $0xFFFFB000  }
0x15a: {  	s10 =	simm.s32 $0x18020;
	s17 =	rddreg [dreg:$0x2]  }
0x15b: {  	[tilespmem:s3], [sflag:$0x3] =	stream.indirect.gather [hbm4b:s17+s2], $0x80, s10, s2, $0xb8;
	[tilespmem:$0x1D100] =	vst v63  }
0x15c: {  	s9 =	simm.s32 $0x3F40;
	[bflag:$0x0] =	sbarrier.arrive $0xFFFF  }
0x15d: {  	[tilespmem:s9+$0xFFFFFFC0] =	vst v4  }
0x15e: {  	[tilespmem:s9+$0x30] =	vst v4  }
0x15f: {  	[tilespmem:s9+$0x20] =	vst v4  }
0x160: {  	[tilespmem:s9+$0x10] =	vst v4  }
0x161: {  	[tilespmem:s9+$0x0] =	vst v4  }
0x162: {  	[tilespmem:s9+$0xFFFFFFF0] =	vst v4  }
0x163: {  	s10 =	simm.s32 $0x0;
	[tilespmem:s9+$0xFFFFFFE0] =	vst v4  }
.LBB2_22:
0x164: {  	s10 =	sadd.s32 $0x80, s10;
	[tilespmem:s9+$0xFFFFFFD0] =	vst v4;
	s9 =	sadd.s32 $0x80, s9  }
0x165: {  	[tilespmem:s9+$0xFFFFFFC0] =	vst v4;
	p0 =	slt.u32 s10, $0x13F80  }
0x166: {  	[tilespmem:s9+$0x30] =	vst v4  }
.Ltmp10:
0x167: {  	[tilespmem:s9+$0x20] =	vst v4;
	(pc) =	sbr.rel @p0 .LBB2_22-.Ltmp10, $4  }
0x168: {  	[tilespmem:s9+$0x10] =	vst v4  }
0x169: {  	[tilespmem:s9+$0x0] =	vst v4  }
0x16a: {  	[tilespmem:s9+$0xFFFFFFF0] =	vst v4  }
0x16b: {  	[tilespmem:s9+$0xFFFFFFE0] =	vst v4  }
0x16c: {  	[tilespmem:s9+$0xFFFFFFD0] =	vst v4;
	s10 =	simm.s32 $0x0  }
0x16d: {  	[tilespmem:s10], [sflag:$0x1] =	stream.linear.gather [hbm4b:s26+s10], $0x1F40, $0x38;
	[tilespmem:$0x1D100] =	vst v63  }
.LBB2_24:
0x16e: {  	s12 =	smul.u32 $0x3E80, s10;
	_ =	sdelay $0x1  }
0x16f: {  	s9 =	sadd.s32 s12, s28  }
0x170: {  	s9 =	sshrl.u32 s9, $0x3  }
0x171: {  	s9 =	sadd.s32 s15, s9  }
0x172: {  	[tilespmem:s4], [sflag:$0x2] =	stream.linear.gather [hbm4b:s9+s1], $0x1F40, $0x38;
	[tilespmem:$0x1D100] =	vst v63  }
0x173: {  	_ =	swait.ge [sflag:s11], $0x1F40  }
0x174: {  	[sflag:s11] =	ssyncset.done $0x0  }
0x175: {  	s17 =	simm.s32 $0x40;
	[sflag:s11] =	ssyncadd.s32 $0xFFFFE0C0  }
0x176: {  	v7 =	vld [tilespmem:s17+$0x30]  }
0x177: {  	v8 =	vld [tilespmem:s17+$0xFFFFFFD0]  }
0x178: {  	v9 =	vld [tilespmem:s17+$0xFFFFFFE0]  }
0x179: {  	v10 =	vld [tilespmem:s17+$0xFFFFFFF0]  }
0x17a: {  	v11 =	vld [tilespmem:s17+$0x0]  }
0x17b: {  	v7 =	vsub.s32 v7, v0  }
0x17c: {  	v8 =	vsub.s32 v8, v0;
	v7 =	vmin.u32 v7, v5  }
0x17d: {  	v9 =	vsub.s32 v9, v0;
	v8 =	vmin.u32 v8, v5  }
0x17e: {  	v12 =	vld [tilespmem:s17+$0x10];
	v10 =	vsub.s32 v10, v0;
	v9 =	vmin.u32 v9, v5  }
0x17f: {  	v13 =	vld [tilespmem:s17+$0x20];
	v11 =	vsub.s32 v11, v0;
	v10 =	vmin.u32 v10, v5  }
0x180: {  	v14 =	vld [tilespmem:s17+$0xFFFFFFC0];
	v11 =	vmin.u32 v11, v5  }
0x181: {  	[tilespmem:v7+s6+$0x0] =	vst.idx.add.f32.msk $0xffff, v6  }
0x182: {  	[tilespmem:v8+s6+$0x0] =	vst.idx.add.f32.msk $0xffff, v6  }
0x183: {  	[tilespmem:v9+s6+$0x0] =	vst.idx.add.f32.msk $0xffff, v6  }
0x184: {  	v7 =	vsub.s32 v12, v0;
	[tilespmem:v10+s6+$0x0] =	vst.idx.add.f32.msk $0xffff, v6  }
0x185: {  	s14 =	simm.s32 $0x0;
	v8 =	vsub.s32 v13, v0;
	v9 =	vsub.s32 v14, v0;
	[tilespmem:v11+s6+$0x0] =	vst.idx.add.f32.msk $0xffff, v6  }
0x186: {  	s13 =	simm.s32 $0x1F00;
	s16 =	simm.s32 $0xC0;
	s9 =	simm.s32 $0x1EF0;
	v7 =	vmin.u32 v7, v5;
	v8 =	vmin.u32 v8, v5;
	v9 =	vmin.u32 v9, v5  }
.LBB2_25:
0x187: {  	v10 =	vld [tilespmem:s16+$0x30];
	s14 =	sadd.s32 $0x80, s14  }
0x188: {  	v11 =	vld [tilespmem:s16+$0xFFFFFFD0];
	p0 =	slt.u32 s14, $0x1E80  }
0x189: {  	v12 =	vld [tilespmem:s16+$0xFFFFFFE0]  }
0x18a: {  	v13 =	vld [tilespmem:s16+$0xFFFFFFF0]  }
0x18b: {  	v14 =	vld [tilespmem:s16+$0x0]  }
0x18c: {  	v15 =	vld [tilespmem:s16+$0x10];
	v10 =	vsub.s32 v10, v0  }
0x18d: {  	v11 =	vsub.s32 v11, v0;
	v16 =	vld [tilespmem:s16+$0x20];
	v10 =	vmin.u32 v10, v5  }
0x18e: {  	v17 =	vld [tilespmem:s16+$0xFFFFFFC0];
	v11 =	vmin.u32 v11, v5;
	v12 =	vsub.s32 v12, v0  }
0x18f: {  	v12 =	vmin.u32 v12, v5;
	v13 =	vsub.s32 v13, v0;
	[tilespmem:v9+s6+$0x0] =	vst.idx.add.f32.msk $0xffff, v6  }
0x190: {  	v13 =	vmin.u32 v13, v5;
	v9 =	vsub.s32 v14, v0;
	[tilespmem:v7+s6+$0x0] =	vst.idx.add.f32.msk $0xffff, v6  }
0x191: {  	v14 =	vmin.u32 v9, v5;
	v7 =	vsub.s32 v15, v0;
	[tilespmem:v8+s6+$0x0] =	vst.idx.add.f32.msk $0xffff, v6  }
.Ltmp11:
0x192: {  	v7 =	vmin.u32 v7, v5;
	v8 =	vsub.s32 v16, v0;
	[tilespmem:v10+s6+$0x0] =	vst.idx.add.f32.msk $0xffff, v6;
	(pc) =	sbr.rel @p0 .LBB2_25-.Ltmp11, $4  }
0x193: {  	v9 =	vsub.s32 v17, v0;
	[tilespmem:v11+s6+$0x0] =	vst.idx.add.f32.msk $0xffff, v6;
	v8 =	vmin.u32 v8, v5  }
0x194: {  	v9 =	vmin.u32 v9, v5;
	[tilespmem:v12+s6+$0x0] =	vst.idx.add.f32.msk $0xffff, v6  }
0x195: {  	[tilespmem:v13+s6+$0x0] =	vst.idx.add.f32.msk $0xffff, v6  }
0x196: {  	s16 =	sadd.s32 $0x80, s16;
	[tilespmem:v14+s6+$0x0] =	vst.idx.add.f32.msk $0xffff, v6  }
0x197: {  	_ =	sdelay $0x3  }
0x198: {  	[tilespmem:v9+s6+$0x0] =	vst.idx.add.f32.msk $0xffff, v6  }
0x199: {  	[tilespmem:v7+s6+$0x0] =	vst.idx.add.f32.msk $0xffff, v6  }
0x19a: {  	[tilespmem:v8+s6+$0x0] =	vst.idx.add.f32.msk $0xffff, v6  }
.LBB2_27:
0x19b: {  	v7 =	vld [tilespmem:s13+$0x0];
	_ =	sdelay $0x4  }
0x19c: {  	s9 =	sadd.s32 $0x10, s9;
	v7 =	vsub.s32 v7, v0  }
0x19d: {  	p0 =	slt.u32 s9, $0x1F30;
	v7 =	vmin.u32 v7, v5  }
.Ltmp12:
0x19e: {  	_ = 	snop;
	(pc) =	sbr.rel @p0 .LBB2_27-.Ltmp12, $2  }
0x19f: {  	_ =	sdelay $0x2  }
0x1a0: {  	s13 =	sadd.s32 $0x10, s13;
	[tilespmem:v7+s6+$0x0] =	vst.idx.add.f32.msk $0xffff, v6  }
0x1a1: {  	p0 =	seq.s32 s10, $0x13  }
0x1a2: {  	s9 =	sadd.s32 @!p0 s12, s29  }
0x1a3: {  	s9 =	sshrl.u32 @!p0 s9, $0x3  }
0x1a4: {  	s12 =	simm.s32 @!p0 $0x0;
	s9 =	sadd.s32 @!p0 s15, s9  }
0x1a5: {  	[tilespmem:s12], [sflag:$0x1] =	stream.linear.gather @!p0 [hbm4b:s9+s12], $0x1F40, $0x38;
	[tilespmem:$0x1D100] =	vst v63  }
0x1a6: {  	_ =	swait.ge [sflag:s7], $0x1F40  }
0x1a7: {  	[sflag:s7] =	ssyncset.done $0x0  }
0x1a8: {  	s17 =	simm.s32 $0x1FC0;
	[sflag:s7] =	ssyncadd.s32 $0xFFFFE0C0  }
0x1a9: {  	v7 =	vld [tilespmem:s17+$0x30]  }
0x1aa: {  	v8 =	vld [tilespmem:s17+$0xFFFFFFD0]  }
0x1ab: {  	v9 =	vld [tilespmem:s17+$0xFFFFFFE0]  }
0x1ac: {  	v10 =	vld [tilespmem:s17+$0xFFFFFFF0]  }
0x1ad: {  	v11 =	vld [tilespmem:s17+$0x0]  }
0x1ae: {  	v7 =	vsub.s32 v7, v0  }
0x1af: {  	v8 =	vsub.s32 v8, v0;
	v7 =	vmin.u32 v7, v5  }
0x1b0: {  	v9 =	vsub.s32 v9, v0;
	v8 =	vmin.u32 v8, v5  }
0x1b1: {  	v12 =	vld [tilespmem:s17+$0x10];
	v10 =	vsub.s32 v10, v0;
	v9 =	vmin.u32 v9, v5  }
0x1b2: {  	v13 =	vld [tilespmem:s17+$0x20];
	v11 =	vsub.s32 v11, v0;
	v10 =	vmin.u32 v10, v5  }
0x1b3: {  	v14 =	vld [tilespmem:s17+$0xFFFFFFC0];
	v11 =	vmin.u32 v11, v5  }
0x1b4: {  	[tilespmem:v7+s6+$0x0] =	vst.idx.add.f32.msk $0xffff, v6  }
0x1b5: {  	[tilespmem:v8+s6+$0x0] =	vst.idx.add.f32.msk $0xffff, v6  }
0x1b6: {  	[tilespmem:v9+s6+$0x0] =	vst.idx.add.f32.msk $0xffff, v6  }
0x1b7: {  	v7 =	vsub.s32 v12, v0;
	[tilespmem:v10+s6+$0x0] =	vst.idx.add.f32.msk $0xffff, v6  }
0x1b8: {  	v8 =	vsub.s32 v13, v0;
	v9 =	vsub.s32 v14, v0;
	[tilespmem:v11+s6+$0x0] =	vst.idx.add.f32.msk $0xffff, v6  }
0x1b9: {  	s13 =	simm.s32 $0x2040;
	s12 =	simm.s32 $0x0;
	s9 =	simm.s32 $0x3E80;
	v7 =	vmin.u32 v7, v5;
	v8 =	vmin.u32 v8, v5;
	v9 =	vmin.u32 v9, v5  }
.LBB2_29:
0x1ba: {  	v10 =	vld [tilespmem:s13+$0x30];
	s12 =	sadd.s32 $0x80, s12  }
0x1bb: {  	v11 =	vld [tilespmem:s13+$0xFFFFFFD0];
	p0 =	slt.u32 s12, $0x1E80  }
0x1bc: {  	v12 =	vld [tilespmem:s13+$0xFFFFFFE0]  }
0x1bd: {  	v13 =	vld [tilespmem:s13+$0xFFFFFFF0]  }
0x1be: {  	v14 =	vld [tilespmem:s13+$0x0]  }
0x1bf: {  	v15 =	vld [tilespmem:s13+$0x10];
	v10 =	vsub.s32 v10, v0  }
0x1c0: {  	v11 =	vsub.s32 v11, v0;
	v16 =	vld [tilespmem:s13+$0x20];
	v10 =	vmin.u32 v10, v5  }
0x1c1: {  	v17 =	vld [tilespmem:s13+$0xFFFFFFC0];
	v11 =	vmin.u32 v11, v5;
	v12 =	vsub.s32 v12, v0  }
0x1c2: {  	v12 =	vmin.u32 v12, v5;
	v13 =	vsub.s32 v13, v0;
	[tilespmem:v9+s6+$0x0] =	vst.idx.add.f32.msk $0xffff, v6  }
0x1c3: {  	v13 =	vmin.u32 v13, v5;
	v9 =	vsub.s32 v14, v0;
	[tilespmem:v7+s6+$0x0] =	vst.idx.add.f32.msk $0xffff, v6  }
0x1c4: {  	v14 =	vmin.u32 v9, v5;
	v7 =	vsub.s32 v15, v0;
	[tilespmem:v8+s6+$0x0] =	vst.idx.add.f32.msk $0xffff, v6  }
.Ltmp13:
0x1c5: {  	s14 =	simm.s32 $0x1EF0;
	v7 =	vmin.u32 v7, v5;
	v8 =	vsub.s32 v16, v0;
	[tilespmem:v10+s6+$0x0] =	vst.idx.add.f32.msk $0xffff, v6;
	(pc) =	sbr.rel @p0 .LBB2_29-.Ltmp13, $4  }
0x1c6: {  	v9 =	vsub.s32 v17, v0;
	[tilespmem:v11+s6+$0x0] =	vst.idx.add.f32.msk $0xffff, v6;
	v8 =	vmin.u32 v8, v5  }
0x1c7: {  	v9 =	vmin.u32 v9, v5;
	[tilespmem:v12+s6+$0x0] =	vst.idx.add.f32.msk $0xffff, v6  }
0x1c8: {  	[tilespmem:v13+s6+$0x0] =	vst.idx.add.f32.msk $0xffff, v6  }
0x1c9: {  	s13 =	sadd.s32 $0x80, s13;
	[tilespmem:v14+s6+$0x0] =	vst.idx.add.f32.msk $0xffff, v6  }
0x1ca: {  	_ =	sdelay $0x3  }
0x1cb: {  	[tilespmem:v9+s6+$0x0] =	vst.idx.add.f32.msk $0xffff, v6  }
0x1cc: {  	[tilespmem:v7+s6+$0x0] =	vst.idx.add.f32.msk $0xffff, v6  }
0x1cd: {  	[tilespmem:v8+s6+$0x0] =	vst.idx.add.f32.msk $0xffff, v6  }
.LBB2_31:
0x1ce: {  	v7 =	vld [tilespmem:s9+$0x0];
	_ =	sdelay $0x4  }
0x1cf: {  	s14 =	sadd.s32 $0x10, s14;
	v7 =	vsub.s32 v7, v0  }
0x1d0: {  	p0 =	slt.u32 s14, $0x1F30;
	v7 =	vmin.u32 v7, v5  }
.Ltmp14:
0x1d1: {  	_ = 	snop;
	(pc) =	sbr.rel @p0 .LBB2_31-.Ltmp14, $2  }
0x1d2: {  	_ =	sdelay $0x2  }
0x1d3: {  	s9 =	sadd.s32 $0x10, s9;
	[tilespmem:v7+s6+$0x0] =	vst.idx.add.f32.msk $0xffff, v6  }
0x1d4: {  	s10 =	sadd.s32 $0x1, s10  }
0x1d5: {  	p0 =	sne.s32 s10, $0x14  }
.Ltmp15:
0x1d6: {  	_ = 	snop;
	(pc) =	sbr.rel @p0 .LBB2_24-.Ltmp15, $1  }
0x1d7: {  	_ =	sdelay $0x3  }
0x1d8: {  	s9 =	rddreg [dreg:$0xc]  }
0x1d9: {  	[hbm4b:s9+s1] =	stream.linear.scatter [tilespmem:s6], [sflag:$0x4], $0x14000, $0x38;
	[tilespmem:$0x1D100] =	vst v63  }
0x1da: {  	_ =	swait.ge [sflag:s0], $0x14000  }
0x1db: {  	[sflag:s0] =	ssyncset.done $0x0  }
0x1dc: {  	[sflag:s0] =	ssyncadd.s32 $0xFFFEC000  }
0x1dd: {  	_ =	swait.ge [sflag:s5], $0x5000  }
0x1de: {  	[sflag:s5] =	ssyncset.done $0x0  }
0x1df: {  	[sflag:s5] =	ssyncadd.s32 $0xFFFFB000  }
0x1e0: {  	[hbm4b:s30+s1] =	stream.linear.scatter [tilespmem:s3], [sflag:$0x4], $0x5000, $0x38;
	[tilespmem:$0x1D100] =	vst v63  }
0x1e1: {  	_ =	swait.ge [sflag:s0], $0x5000  }
0x1e2: {  	[sflag:s0] =	ssyncset.done $0x0  }
0x1e3: {  	s9 =	simm.s32 $0x3F40;
	[sflag:s0] =	ssyncadd.s32 $0xFFFFB000  }
0x1e4: {  	[tilespmem:s9+$0xFFFFFFC0] =	vst v4  }
0x1e5: {  	[tilespmem:s9+$0x30] =	vst v4  }
0x1e6: {  	[tilespmem:s9+$0x20] =	vst v4  }
0x1e7: {  	[tilespmem:s9+$0x10] =	vst v4  }
0x1e8: {  	[tilespmem:s9+$0x0] =	vst v4  }
0x1e9: {  	[tilespmem:s9+$0xFFFFFFF0] =	vst v4  }
0x1ea: {  	s10 =	simm.s32 $0x0;
	[tilespmem:s9+$0xFFFFFFE0] =	vst v4  }
.LBB2_34:
0x1eb: {  	s10 =	sadd.s32 $0x80, s10;
	[tilespmem:s9+$0xFFFFFFD0] =	vst v4;
	s9 =	sadd.s32 $0x80, s9  }
0x1ec: {  	[tilespmem:s9+$0xFFFFFFC0] =	vst v4;
	p0 =	slt.u32 s10, $0x13F80  }
0x1ed: {  	[tilespmem:s9+$0x30] =	vst v4  }
.Ltmp16:
0x1ee: {  	[tilespmem:s9+$0x20] =	vst v4;
	(pc) =	sbr.rel @p0 .LBB2_34-.Ltmp16, $4  }
0x1ef: {  	[tilespmem:s9+$0x10] =	vst v4  }
0x1f0: {  	[tilespmem:s9+$0x0] =	vst v4  }
0x1f1: {  	[tilespmem:s9+$0xFFFFFFF0] =	vst v4  }
0x1f2: {  	[tilespmem:s9+$0xFFFFFFE0] =	vst v4  }
0x1f3: {  	[tilespmem:s9+$0xFFFFFFD0] =	vst v4;
	s10 =	simm.s32 $0x0  }
0x1f4: {  	[tilespmem:s10], [sflag:$0x1] =	stream.linear.gather [hbm4b:s26+s10], $0x1F40, $0x38;
	[tilespmem:$0x1D100] =	vst v63  }
.LBB2_36:
0x1f5: {  	s12 =	smul.u32 $0x3E80, s10;
	_ =	sdelay $0x1  }
0x1f6: {  	s9 =	sadd.s32 s12, s28  }
0x1f7: {  	s9 =	sshrl.u32 s9, $0x3  }
0x1f8: {  	s9 =	sadd.s32 s15, s9  }
0x1f9: {  	[tilespmem:s4], [sflag:$0x2] =	stream.linear.gather [hbm4b:s9+s1], $0x1F40, $0x38;
	[tilespmem:$0x1D100] =	vst v63  }
0x1fa: {  	_ =	swait.ge [sflag:s11], $0x1F40  }
0x1fb: {  	[sflag:s11] =	ssyncset.done $0x0  }
0x1fc: {  	s17 =	simm.s32 $0x40;
	[sflag:s11] =	ssyncadd.s32 $0xFFFFE0C0  }
0x1fd: {  	v7 =	vld [tilespmem:s17+$0x30]  }
0x1fe: {  	v8 =	vld [tilespmem:s17+$0xFFFFFFD0]  }
0x1ff: {  	v9 =	vld [tilespmem:s17+$0xFFFFFFE0]  }
0x200: {  	v10 =	vld [tilespmem:s17+$0xFFFFFFF0]  }
0x201: {  	v11 =	vld [tilespmem:s17+$0x0]  }
0x202: {  	v7 =	vsub.s32 v7, v1  }
0x203: {  	v8 =	vsub.s32 v8, v1;
	v7 =	vmin.u32 v7, v5  }
0x204: {  	v9 =	vsub.s32 v9, v1;
	v8 =	vmin.u32 v8, v5  }
0x205: {  	v12 =	vld [tilespmem:s17+$0x10];
	v10 =	vsub.s32 v10, v1;
	v9 =	vmin.u32 v9, v5  }
0x206: {  	v13 =	vld [tilespmem:s17+$0x20];
	v11 =	vsub.s32 v11, v1;
	v10 =	vmin.u32 v10, v5  }
0x207: {  	v14 =	vld [tilespmem:s17+$0xFFFFFFC0];
	v11 =	vmin.u32 v11, v5  }
0x208: {  	[tilespmem:v7+s6+$0x0] =	vst.idx.add.f32.msk $0xffff, v6  }
0x209: {  	[tilespmem:v8+s6+$0x0] =	vst.idx.add.f32.msk $0xffff, v6  }
0x20a: {  	[tilespmem:v9+s6+$0x0] =	vst.idx.add.f32.msk $0xffff, v6  }
0x20b: {  	v7 =	vsub.s32 v12, v1;
	[tilespmem:v10+s6+$0x0] =	vst.idx.add.f32.msk $0xffff, v6  }
0x20c: {  	v8 =	vsub.s32 v13, v1;
	v9 =	vsub.s32 v14, v1;
	[tilespmem:v11+s6+$0x0] =	vst.idx.add.f32.msk $0xffff, v6  }
0x20d: {  	s13 =	simm.s32 $0xC0;
	s9 =	simm.s32 $0x0;
	v7 =	vmin.u32 v7, v5;
	v8 =	vmin.u32 v8, v5;
	v9 =	vmin.u32 v9, v5  }
.LBB2_37:
0x20e: {  	v10 =	vld [tilespmem:s13+$0x30];
	s9 =	sadd.s32 $0x80, s9  }
0x20f: {  	v11 =	vld [tilespmem:s13+$0xFFFFFFD0];
	p0 =	slt.u32 s9, $0x1E80  }
0x210: {  	v12 =	vld [tilespmem:s13+$0xFFFFFFE0]  }
0x211: {  	v13 =	vld [tilespmem:s13+$0xFFFFFFF0]  }
0x212: {  	v14 =	vld [tilespmem:s13+$0x0]  }
0x213: {  	v15 =	vld [tilespmem:s13+$0x10];
	v10 =	vsub.s32 v10, v1  }
0x214: {  	v11 =	vsub.s32 v11, v1;
	v16 =	vld [tilespmem:s13+$0x20];
	v10 =	vmin.u32 v10, v5  }
0x215: {  	v17 =	vld [tilespmem:s13+$0xFFFFFFC0];
	v11 =	vmin.u32 v11, v5;
	v12 =	vsub.s32 v12, v1  }
0x216: {  	v12 =	vmin.u32 v12, v5;
	v13 =	vsub.s32 v13, v1;
	[tilespmem:v9+s6+$0x0] =	vst.idx.add.f32.msk $0xffff, v6  }
0x217: {  	v13 =	vmin.u32 v13, v5;
	v9 =	vsub.s32 v14, v1;
	[tilespmem:v7+s6+$0x0] =	vst.idx.add.f32.msk $0xffff, v6  }
0x218: {  	v14 =	vmin.u32 v9, v5;
	v7 =	vsub.s32 v15, v1;
	[tilespmem:v8+s6+$0x0] =	vst.idx.add.f32.msk $0xffff, v6  }
.Ltmp17:
0x219: {  	s14 =	simm.s32 $0x1EF0;
	s16 =	simm.s32 $0x1F00;
	v7 =	vmin.u32 v7, v5;
	v8 =	vsub.s32 v16, v1;
	[tilespmem:v10+s6+$0x0] =	vst.idx.add.f32.msk $0xffff, v6;
	(pc) =	sbr.rel @p0 .LBB2_37-.Ltmp17, $4  }
0x21a: {  	v9 =	vsub.s32 v17, v1;
	[tilespmem:v11+s6+$0x0] =	vst.idx.add.f32.msk $0xffff, v6;
	v8 =	vmin.u32 v8, v5  }
0x21b: {  	v9 =	vmin.u32 v9, v5;
	[tilespmem:v12+s6+$0x0] =	vst.idx.add.f32.msk $0xffff, v6  }
0x21c: {  	[tilespmem:v13+s6+$0x0] =	vst.idx.add.f32.msk $0xffff, v6  }
0x21d: {  	s13 =	sadd.s32 $0x80, s13;
	[tilespmem:v14+s6+$0x0] =	vst.idx.add.f32.msk $0xffff, v6  }
0x21e: {  	_ =	sdelay $0x3  }
0x21f: {  	[tilespmem:v9+s6+$0x0] =	vst.idx.add.f32.msk $0xffff, v6  }
0x220: {  	[tilespmem:v7+s6+$0x0] =	vst.idx.add.f32.msk $0xffff, v6  }
0x221: {  	[tilespmem:v8+s6+$0x0] =	vst.idx.add.f32.msk $0xffff, v6  }
.LBB2_39:
0x222: {  	v7 =	vld [tilespmem:s16+$0x0];
	_ =	sdelay $0x4  }
0x223: {  	s14 =	sadd.s32 $0x10, s14;
	v7 =	vsub.s32 v7, v1  }
0x224: {  	p0 =	slt.u32 s14, $0x1F30;
	v7 =	vmin.u32 v7, v5  }
.Ltmp18:
0x225: {  	_ = 	snop;
	(pc) =	sbr.rel @p0 .LBB2_39-.Ltmp18, $2  }
0x226: {  	_ =	sdelay $0x2  }
0x227: {  	s16 =	sadd.s32 $0x10, s16;
	[tilespmem:v7+s6+$0x0] =	vst.idx.add.f32.msk $0xffff, v6  }
0x228: {  	p0 =	seq.s32 s10, $0x13  }
0x229: {  	s9 =	sadd.s32 @!p0 s12, s29  }
0x22a: {  	s9 =	sshrl.u32 @!p0 s9, $0x3  }
0x22b: {  	s12 =	simm.s32 @!p0 $0x0;
	s9 =	sadd.s32 @!p0 s15, s9  }
0x22c: {  	[tilespmem:s12], [sflag:$0x1] =	stream.linear.gather @!p0 [hbm4b:s9+s12], $0x1F40, $0x38;
	[tilespmem:$0x1D100] =	vst v63  }
0x22d: {  	_ =	swait.ge [sflag:s7], $0x1F40  }
0x22e: {  	[sflag:s7] =	ssyncset.done $0x0  }
0x22f: {  	s17 =	simm.s32 $0x1FC0;
	[sflag:s7] =	ssyncadd.s32 $0xFFFFE0C0  }
0x230: {  	v7 =	vld [tilespmem:s17+$0x30]  }
0x231: {  	v8 =	vld [tilespmem:s17+$0xFFFFFFD0]  }
0x232: {  	v9 =	vld [tilespmem:s17+$0xFFFFFFE0]  }
0x233: {  	v10 =	vld [tilespmem:s17+$0xFFFFFFF0]  }
0x234: {  	v11 =	vld [tilespmem:s17+$0x0]  }
0x235: {  	v7 =	vsub.s32 v7, v1  }
0x236: {  	v8 =	vsub.s32 v8, v1;
	v7 =	vmin.u32 v7, v5  }
0x237: {  	v9 =	vsub.s32 v9, v1;
	v8 =	vmin.u32 v8, v5  }
0x238: {  	v12 =	vld [tilespmem:s17+$0x10];
	v10 =	vsub.s32 v10, v1;
	v9 =	vmin.u32 v9, v5  }
0x239: {  	v13 =	vld [tilespmem:s17+$0x20];
	v11 =	vsub.s32 v11, v1;
	v10 =	vmin.u32 v10, v5  }
0x23a: {  	v14 =	vld [tilespmem:s17+$0xFFFFFFC0];
	v11 =	vmin.u32 v11, v5  }
0x23b: {  	[tilespmem:v7+s6+$0x0] =	vst.idx.add.f32.msk $0xffff, v6  }
0x23c: {  	[tilespmem:v8+s6+$0x0] =	vst.idx.add.f32.msk $0xffff, v6  }
0x23d: {  	[tilespmem:v9+s6+$0x0] =	vst.idx.add.f32.msk $0xffff, v6  }
0x23e: {  	v7 =	vsub.s32 v12, v1;
	[tilespmem:v10+s6+$0x0] =	vst.idx.add.f32.msk $0xffff, v6  }
0x23f: {  	v8 =	vsub.s32 v13, v1;
	v9 =	vsub.s32 v14, v1;
	[tilespmem:v11+s6+$0x0] =	vst.idx.add.f32.msk $0xffff, v6  }
0x240: {  	s9 =	simm.s32 $0x0;
	s12 =	simm.s32 $0x2040;
	v7 =	vmin.u32 v7, v5;
	v8 =	vmin.u32 v8, v5;
	v9 =	vmin.u32 v9, v5  }
.LBB2_41:
0x241: {  	v10 =	vld [tilespmem:s12+$0x30];
	s9 =	sadd.s32 $0x80, s9  }
0x242: {  	v11 =	vld [tilespmem:s12+$0xFFFFFFD0];
	p0 =	slt.u32 s9, $0x1E80  }
0x243: {  	v12 =	vld [tilespmem:s12+$0xFFFFFFE0]  }
0x244: {  	v13 =	vld [tilespmem:s12+$0xFFFFFFF0]  }
0x245: {  	v14 =	vld [tilespmem:s12+$0x0]  }
0x246: {  	v15 =	vld [tilespmem:s12+$0x10];
	v10 =	vsub.s32 v10, v1  }
0x247: {  	v11 =	vsub.s32 v11, v1;
	v16 =	vld [tilespmem:s12+$0x20];
	v10 =	vmin.u32 v10, v5  }
0x248: {  	v17 =	vld [tilespmem:s12+$0xFFFFFFC0];
	v11 =	vmin.u32 v11, v5;
	v12 =	vsub.s32 v12, v1  }
0x249: {  	v12 =	vmin.u32 v12, v5;
	v13 =	vsub.s32 v13, v1;
	[tilespmem:v9+s6+$0x0] =	vst.idx.add.f32.msk $0xffff, v6  }
0x24a: {  	v13 =	vmin.u32 v13, v5;
	v9 =	vsub.s32 v14, v1;
	[tilespmem:v7+s6+$0x0] =	vst.idx.add.f32.msk $0xffff, v6  }
0x24b: {  	v14 =	vmin.u32 v9, v5;
	v7 =	vsub.s32 v15, v1;
	[tilespmem:v8+s6+$0x0] =	vst.idx.add.f32.msk $0xffff, v6  }
.Ltmp19:
0x24c: {  	s13 =	simm.s32 $0x1EF0;
	s14 =	simm.s32 $0x3E80;
	v7 =	vmin.u32 v7, v5;
	v8 =	vsub.s32 v16, v1;
	[tilespmem:v10+s6+$0x0] =	vst.idx.add.f32.msk $0xffff, v6;
	(pc) =	sbr.rel @p0 .LBB2_41-.Ltmp19, $4  }
0x24d: {  	v9 =	vsub.s32 v17, v1;
	[tilespmem:v11+s6+$0x0] =	vst.idx.add.f32.msk $0xffff, v6;
	v8 =	vmin.u32 v8, v5  }
0x24e: {  	v9 =	vmin.u32 v9, v5;
	[tilespmem:v12+s6+$0x0] =	vst.idx.add.f32.msk $0xffff, v6  }
0x24f: {  	[tilespmem:v13+s6+$0x0] =	vst.idx.add.f32.msk $0xffff, v6  }
0x250: {  	s12 =	sadd.s32 $0x80, s12;
	[tilespmem:v14+s6+$0x0] =	vst.idx.add.f32.msk $0xffff, v6  }
0x251: {  	_ =	sdelay $0x3  }
0x252: {  	[tilespmem:v9+s6+$0x0] =	vst.idx.add.f32.msk $0xffff, v6  }
0x253: {  	[tilespmem:v7+s6+$0x0] =	vst.idx.add.f32.msk $0xffff, v6  }
0x254: {  	[tilespmem:v8+s6+$0x0] =	vst.idx.add.f32.msk $0xffff, v6  }
.LBB2_43:
0x255: {  	v7 =	vld [tilespmem:s14+$0x0];
	_ =	sdelay $0x4  }
0x256: {  	s13 =	sadd.s32 $0x10, s13;
	v7 =	vsub.s32 v7, v1  }
0x257: {  	p0 =	slt.u32 s13, $0x1F30;
	v7 =	vmin.u32 v7, v5  }
.Ltmp20:
0x258: {  	_ = 	snop;
	(pc) =	sbr.rel @p0 .LBB2_43-.Ltmp20, $2  }
0x259: {  	_ =	sdelay $0x2  }
0x25a: {  	s14 =	sadd.s32 $0x10, s14;
	[tilespmem:v7+s6+$0x0] =	vst.idx.add.f32.msk $0xffff, v6  }
0x25b: {  	s10 =	sadd.s32 $0x1, s10  }
0x25c: {  	p0 =	sne.s32 s10, $0x14  }
.Ltmp21:
0x25d: {  	_ = 	snop;
	(pc) =	sbr.rel @p0 .LBB2_36-.Ltmp21, $1  }
0x25e: {  	_ =	sdelay $0x3  }
0x25f: {  	s9 =	rddreg [dreg:$0xd]  }
0x260: {  	[hbm4b:s9+s1] =	stream.linear.scatter [tilespmem:s6], [sflag:$0x4], $0x14000, $0x38;
	[tilespmem:$0x1D100] =	vst v63  }
0x261: {  	_ =	swait.ge [sflag:s0], $0x14000  }
0x262: {  	[sflag:s0] =	ssyncset.done $0x0  }
0x263: {  	s9 =	simm.s32 $0x3F40;
	[sflag:s0] =	ssyncadd.s32 $0xFFFEC000  }
0x264: {  	[tilespmem:s9+$0xFFFFFFC0] =	vst v4  }
0x265: {  	[tilespmem:s9+$0x30] =	vst v4  }
0x266: {  	[tilespmem:s9+$0x20] =	vst v4  }
0x267: {  	[tilespmem:s9+$0x10] =	vst v4  }
0x268: {  	[tilespmem:s9+$0x0] =	vst v4  }
0x269: {  	[tilespmem:s9+$0xFFFFFFF0] =	vst v4  }
0x26a: {  	s10 =	simm.s32 $0x0;
	[tilespmem:s9+$0xFFFFFFE0] =	vst v4  }
.LBB2_46:
0x26b: {  	s10 =	sadd.s32 $0x80, s10;
	[tilespmem:s9+$0xFFFFFFD0] =	vst v4;
	s9 =	sadd.s32 $0x80, s9  }
0x26c: {  	[tilespmem:s9+$0xFFFFFFC0] =	vst v4;
	p0 =	slt.u32 s10, $0x13F80  }
0x26d: {  	[tilespmem:s9+$0x30] =	vst v4  }
.Ltmp22:
0x26e: {  	[tilespmem:s9+$0x20] =	vst v4;
	(pc) =	sbr.rel @p0 .LBB2_46-.Ltmp22, $4  }
0x26f: {  	[tilespmem:s9+$0x10] =	vst v4  }
0x270: {  	[tilespmem:s9+$0x0] =	vst v4  }
0x271: {  	[tilespmem:s9+$0xFFFFFFF0] =	vst v4  }
0x272: {  	[tilespmem:s9+$0xFFFFFFE0] =	vst v4  }
0x273: {  	[tilespmem:s9+$0xFFFFFFD0] =	vst v4;
	s10 =	simm.s32 $0x0  }
0x274: {  	[tilespmem:s10], [sflag:$0x1] =	stream.linear.gather [hbm4b:s26+s10], $0x1F40, $0x38;
	[tilespmem:$0x1D100] =	vst v63  }
.LBB2_48:
0x275: {  	s12 =	smul.u32 $0x3E80, s10;
	_ =	sdelay $0x1  }
0x276: {  	s9 =	sadd.s32 s12, s28  }
0x277: {  	s9 =	sshrl.u32 s9, $0x3  }
0x278: {  	s9 =	sadd.s32 s15, s9  }
0x279: {  	[tilespmem:s4], [sflag:$0x2] =	stream.linear.gather [hbm4b:s9+s1], $0x1F40, $0x38;
	[tilespmem:$0x1D100] =	vst v63  }
0x27a: {  	_ =	swait.ge [sflag:s11], $0x1F40  }
0x27b: {  	[sflag:s11] =	ssyncset.done $0x0  }
0x27c: {  	s17 =	simm.s32 $0x40;
	[sflag:s11] =	ssyncadd.s32 $0xFFFFE0C0  }
0x27d: {  	v7 =	vld [tilespmem:s17+$0x30]  }
0x27e: {  	v8 =	vld [tilespmem:s17+$0xFFFFFFD0]  }
0x27f: {  	v9 =	vld [tilespmem:s17+$0xFFFFFFE0]  }
0x280: {  	v10 =	vld [tilespmem:s17+$0xFFFFFFF0]  }
0x281: {  	v11 =	vld [tilespmem:s17+$0x0]  }
0x282: {  	v7 =	vsub.s32 v7, v2  }
0x283: {  	v8 =	vsub.s32 v8, v2;
	v7 =	vmin.u32 v7, v5  }
0x284: {  	v9 =	vsub.s32 v9, v2;
	v8 =	vmin.u32 v8, v5  }
0x285: {  	v12 =	vld [tilespmem:s17+$0x10];
	v10 =	vsub.s32 v10, v2;
	v9 =	vmin.u32 v9, v5  }
0x286: {  	v13 =	vld [tilespmem:s17+$0x20];
	v11 =	vsub.s32 v11, v2;
	v10 =	vmin.u32 v10, v5  }
0x287: {  	v14 =	vld [tilespmem:s17+$0xFFFFFFC0];
	v11 =	vmin.u32 v11, v5  }
0x288: {  	[tilespmem:v7+s6+$0x0] =	vst.idx.add.f32.msk $0xffff, v6  }
0x289: {  	[tilespmem:v8+s6+$0x0] =	vst.idx.add.f32.msk $0xffff, v6  }
0x28a: {  	[tilespmem:v9+s6+$0x0] =	vst.idx.add.f32.msk $0xffff, v6  }
0x28b: {  	v7 =	vsub.s32 v12, v2;
	[tilespmem:v10+s6+$0x0] =	vst.idx.add.f32.msk $0xffff, v6  }
0x28c: {  	v8 =	vsub.s32 v13, v2;
	v9 =	vsub.s32 v14, v2;
	[tilespmem:v11+s6+$0x0] =	vst.idx.add.f32.msk $0xffff, v6  }
0x28d: {  	s13 =	simm.s32 $0xC0;
	s9 =	simm.s32 $0x0;
	v7 =	vmin.u32 v7, v5;
	v8 =	vmin.u32 v8, v5;
	v9 =	vmin.u32 v9, v5  }
.LBB2_49:
0x28e: {  	v10 =	vld [tilespmem:s13+$0x30];
	s9 =	sadd.s32 $0x80, s9  }
0x28f: {  	v11 =	vld [tilespmem:s13+$0xFFFFFFD0];
	p0 =	slt.u32 s9, $0x1E80  }
0x290: {  	v12 =	vld [tilespmem:s13+$0xFFFFFFE0]  }
0x291: {  	v13 =	vld [tilespmem:s13+$0xFFFFFFF0]  }
0x292: {  	v14 =	vld [tilespmem:s13+$0x0]  }
0x293: {  	v15 =	vld [tilespmem:s13+$0x10];
	v10 =	vsub.s32 v10, v2  }
0x294: {  	v11 =	vsub.s32 v11, v2;
	v16 =	vld [tilespmem:s13+$0x20];
	v10 =	vmin.u32 v10, v5  }
0x295: {  	v17 =	vld [tilespmem:s13+$0xFFFFFFC0];
	v11 =	vmin.u32 v11, v5;
	v12 =	vsub.s32 v12, v2  }
0x296: {  	v12 =	vmin.u32 v12, v5;
	v13 =	vsub.s32 v13, v2;
	[tilespmem:v9+s6+$0x0] =	vst.idx.add.f32.msk $0xffff, v6  }
0x297: {  	v13 =	vmin.u32 v13, v5;
	v9 =	vsub.s32 v14, v2;
	[tilespmem:v7+s6+$0x0] =	vst.idx.add.f32.msk $0xffff, v6  }
0x298: {  	v14 =	vmin.u32 v9, v5;
	v7 =	vsub.s32 v15, v2;
	[tilespmem:v8+s6+$0x0] =	vst.idx.add.f32.msk $0xffff, v6  }
.Ltmp23:
0x299: {  	s14 =	simm.s32 $0x1EF0;
	s16 =	simm.s32 $0x1F00;
	v7 =	vmin.u32 v7, v5;
	v8 =	vsub.s32 v16, v2;
	[tilespmem:v10+s6+$0x0] =	vst.idx.add.f32.msk $0xffff, v6;
	(pc) =	sbr.rel @p0 .LBB2_49-.Ltmp23, $4  }
0x29a: {  	v9 =	vsub.s32 v17, v2;
	[tilespmem:v11+s6+$0x0] =	vst.idx.add.f32.msk $0xffff, v6;
	v8 =	vmin.u32 v8, v5  }
0x29b: {  	v9 =	vmin.u32 v9, v5;
	[tilespmem:v12+s6+$0x0] =	vst.idx.add.f32.msk $0xffff, v6  }
0x29c: {  	[tilespmem:v13+s6+$0x0] =	vst.idx.add.f32.msk $0xffff, v6  }
0x29d: {  	s13 =	sadd.s32 $0x80, s13;
	[tilespmem:v14+s6+$0x0] =	vst.idx.add.f32.msk $0xffff, v6  }
0x29e: {  	_ =	sdelay $0x3  }
0x29f: {  	[tilespmem:v9+s6+$0x0] =	vst.idx.add.f32.msk $0xffff, v6  }
0x2a0: {  	[tilespmem:v7+s6+$0x0] =	vst.idx.add.f32.msk $0xffff, v6  }
0x2a1: {  	[tilespmem:v8+s6+$0x0] =	vst.idx.add.f32.msk $0xffff, v6  }
.LBB2_51:
0x2a2: {  	v7 =	vld [tilespmem:s16+$0x0];
	_ =	sdelay $0x4  }
0x2a3: {  	s14 =	sadd.s32 $0x10, s14;
	v7 =	vsub.s32 v7, v2  }
0x2a4: {  	p0 =	slt.u32 s14, $0x1F30;
	v7 =	vmin.u32 v7, v5  }
.Ltmp24:
0x2a5: {  	_ = 	snop;
	(pc) =	sbr.rel @p0 .LBB2_51-.Ltmp24, $2  }
0x2a6: {  	_ =	sdelay $0x2  }
0x2a7: {  	s16 =	sadd.s32 $0x10, s16;
	[tilespmem:v7+s6+$0x0] =	vst.idx.add.f32.msk $0xffff, v6  }
0x2a8: {  	p0 =	seq.s32 s10, $0x13  }
0x2a9: {  	s9 =	sadd.s32 @!p0 s12, s29  }
0x2aa: {  	s9 =	sshrl.u32 @!p0 s9, $0x3  }
0x2ab: {  	s12 =	simm.s32 @!p0 $0x0;
	s9 =	sadd.s32 @!p0 s15, s9  }
0x2ac: {  	[tilespmem:s12], [sflag:$0x1] =	stream.linear.gather @!p0 [hbm4b:s9+s12], $0x1F40, $0x38;
	[tilespmem:$0x1D100] =	vst v63  }
0x2ad: {  	_ =	swait.ge [sflag:s7], $0x1F40  }
0x2ae: {  	[sflag:s7] =	ssyncset.done $0x0  }
0x2af: {  	s17 =	simm.s32 $0x1FC0;
	[sflag:s7] =	ssyncadd.s32 $0xFFFFE0C0  }
0x2b0: {  	v7 =	vld [tilespmem:s17+$0x30]  }
0x2b1: {  	v8 =	vld [tilespmem:s17+$0xFFFFFFD0]  }
0x2b2: {  	v9 =	vld [tilespmem:s17+$0xFFFFFFE0]  }
0x2b3: {  	v10 =	vld [tilespmem:s17+$0xFFFFFFF0]  }
0x2b4: {  	v11 =	vld [tilespmem:s17+$0x0]  }
0x2b5: {  	v7 =	vsub.s32 v7, v2  }
0x2b6: {  	v8 =	vsub.s32 v8, v2;
	v7 =	vmin.u32 v7, v5  }
0x2b7: {  	v9 =	vsub.s32 v9, v2;
	v8 =	vmin.u32 v8, v5  }
0x2b8: {  	v12 =	vld [tilespmem:s17+$0x10];
	v10 =	vsub.s32 v10, v2;
	v9 =	vmin.u32 v9, v5  }
0x2b9: {  	v13 =	vld [tilespmem:s17+$0x20];
	v11 =	vsub.s32 v11, v2;
	v10 =	vmin.u32 v10, v5  }
0x2ba: {  	v14 =	vld [tilespmem:s17+$0xFFFFFFC0];
	v11 =	vmin.u32 v11, v5  }
0x2bb: {  	[tilespmem:v7+s6+$0x0] =	vst.idx.add.f32.msk $0xffff, v6  }
0x2bc: {  	[tilespmem:v8+s6+$0x0] =	vst.idx.add.f32.msk $0xffff, v6  }
0x2bd: {  	[tilespmem:v9+s6+$0x0] =	vst.idx.add.f32.msk $0xffff, v6  }
0x2be: {  	v7 =	vsub.s32 v12, v2;
	[tilespmem:v10+s6+$0x0] =	vst.idx.add.f32.msk $0xffff, v6  }
0x2bf: {  	v8 =	vsub.s32 v13, v2;
	v9 =	vsub.s32 v14, v2;
	[tilespmem:v11+s6+$0x0] =	vst.idx.add.f32.msk $0xffff, v6  }
0x2c0: {  	s9 =	simm.s32 $0x0;
	s12 =	simm.s32 $0x2040;
	v7 =	vmin.u32 v7, v5;
	v8 =	vmin.u32 v8, v5;
	v9 =	vmin.u32 v9, v5  }
.LBB2_53:
0x2c1: {  	v10 =	vld [tilespmem:s12+$0x30];
	s9 =	sadd.s32 $0x80, s9  }
0x2c2: {  	v11 =	vld [tilespmem:s12+$0xFFFFFFD0];
	p0 =	slt.u32 s9, $0x1E80  }
0x2c3: {  	v12 =	vld [tilespmem:s12+$0xFFFFFFE0]  }
0x2c4: {  	v13 =	vld [tilespmem:s12+$0xFFFFFFF0]  }
0x2c5: {  	v14 =	vld [tilespmem:s12+$0x0]  }
0x2c6: {  	v15 =	vld [tilespmem:s12+$0x10];
	v10 =	vsub.s32 v10, v2  }
0x2c7: {  	v11 =	vsub.s32 v11, v2;
	v16 =	vld [tilespmem:s12+$0x20];
	v10 =	vmin.u32 v10, v5  }
0x2c8: {  	v17 =	vld [tilespmem:s12+$0xFFFFFFC0];
	v11 =	vmin.u32 v11, v5;
	v12 =	vsub.s32 v12, v2  }
0x2c9: {  	v12 =	vmin.u32 v12, v5;
	v13 =	vsub.s32 v13, v2;
	[tilespmem:v9+s6+$0x0] =	vst.idx.add.f32.msk $0xffff, v6  }
0x2ca: {  	v13 =	vmin.u32 v13, v5;
	v9 =	vsub.s32 v14, v2;
	[tilespmem:v7+s6+$0x0] =	vst.idx.add.f32.msk $0xffff, v6  }
0x2cb: {  	v14 =	vmin.u32 v9, v5;
	v7 =	vsub.s32 v15, v2;
	[tilespmem:v8+s6+$0x0] =	vst.idx.add.f32.msk $0xffff, v6  }
.Ltmp25:
0x2cc: {  	s13 =	simm.s32 $0x1EF0;
	s14 =	simm.s32 $0x3E80;
	v7 =	vmin.u32 v7, v5;
	v8 =	vsub.s32 v16, v2;
	[tilespmem:v10+s6+$0x0] =	vst.idx.add.f32.msk $0xffff, v6;
	(pc) =	sbr.rel @p0 .LBB2_53-.Ltmp25, $4  }
0x2cd: {  	v9 =	vsub.s32 v17, v2;
	[tilespmem:v11+s6+$0x0] =	vst.idx.add.f32.msk $0xffff, v6;
	v8 =	vmin.u32 v8, v5  }
0x2ce: {  	v9 =	vmin.u32 v9, v5;
	[tilespmem:v12+s6+$0x0] =	vst.idx.add.f32.msk $0xffff, v6  }
0x2cf: {  	[tilespmem:v13+s6+$0x0] =	vst.idx.add.f32.msk $0xffff, v6  }
0x2d0: {  	s12 =	sadd.s32 $0x80, s12;
	[tilespmem:v14+s6+$0x0] =	vst.idx.add.f32.msk $0xffff, v6  }
0x2d1: {  	_ =	sdelay $0x3  }
0x2d2: {  	[tilespmem:v9+s6+$0x0] =	vst.idx.add.f32.msk $0xffff, v6  }
0x2d3: {  	[tilespmem:v7+s6+$0x0] =	vst.idx.add.f32.msk $0xffff, v6  }
0x2d4: {  	[tilespmem:v8+s6+$0x0] =	vst.idx.add.f32.msk $0xffff, v6  }
.LBB2_55:
0x2d5: {  	v7 =	vld [tilespmem:s14+$0x0];
	_ =	sdelay $0x4  }
0x2d6: {  	s13 =	sadd.s32 $0x10, s13;
	v7 =	vsub.s32 v7, v2  }
0x2d7: {  	p0 =	slt.u32 s13, $0x1F30;
	v7 =	vmin.u32 v7, v5  }
.Ltmp26:
0x2d8: {  	_ = 	snop;
	(pc) =	sbr.rel @p0 .LBB2_55-.Ltmp26, $2  }
0x2d9: {  	_ =	sdelay $0x2  }
0x2da: {  	s14 =	sadd.s32 $0x10, s14;
	[tilespmem:v7+s6+$0x0] =	vst.idx.add.f32.msk $0xffff, v6  }
0x2db: {  	s10 =	sadd.s32 $0x1, s10  }
0x2dc: {  	p0 =	sne.s32 s10, $0x14  }
.Ltmp27:
0x2dd: {  	_ = 	snop;
	(pc) =	sbr.rel @p0 .LBB2_48-.Ltmp27, $1  }
0x2de: {  	_ =	sdelay $0x3  }
0x2df: {  	s9 =	rddreg [dreg:$0xe]  }
0x2e0: {  	[hbm4b:s9+s1] =	stream.linear.scatter [tilespmem:s6], [sflag:$0x4], $0x14000, $0x38;
	[tilespmem:$0x1D100] =	vst v63  }
0x2e1: {  	_ =	swait.ge [sflag:s0], $0x14000  }
0x2e2: {  	[sflag:s0] =	ssyncset.done $0x0  }
0x2e3: {  	s9 =	simm.s32 $0x3F40;
	[sflag:s0] =	ssyncadd.s32 $0xFFFEC000  }
0x2e4: {  	[tilespmem:s9+$0xFFFFFFC0] =	vst v4  }
0x2e5: {  	[tilespmem:s9+$0x30] =	vst v4  }
0x2e6: {  	[tilespmem:s9+$0x20] =	vst v4  }
0x2e7: {  	[tilespmem:s9+$0x10] =	vst v4  }
0x2e8: {  	[tilespmem:s9+$0x0] =	vst v4  }
0x2e9: {  	[tilespmem:s9+$0xFFFFFFF0] =	vst v4  }
0x2ea: {  	s10 =	simm.s32 $0x0;
	[tilespmem:s9+$0xFFFFFFE0] =	vst v4  }
.LBB2_58:
0x2eb: {  	s10 =	sadd.s32 $0x80, s10;
	[tilespmem:s9+$0xFFFFFFD0] =	vst v4;
	s9 =	sadd.s32 $0x80, s9  }
0x2ec: {  	[tilespmem:s9+$0xFFFFFFC0] =	vst v4;
	p0 =	slt.u32 s10, $0x13F80  }
0x2ed: {  	[tilespmem:s9+$0x30] =	vst v4  }
.Ltmp28:
0x2ee: {  	[tilespmem:s9+$0x20] =	vst v4;
	(pc) =	sbr.rel @p0 .LBB2_58-.Ltmp28, $4  }
0x2ef: {  	[tilespmem:s9+$0x10] =	vst v4  }
0x2f0: {  	[tilespmem:s9+$0x0] =	vst v4  }
0x2f1: {  	[tilespmem:s9+$0xFFFFFFF0] =	vst v4  }
0x2f2: {  	[tilespmem:s9+$0xFFFFFFE0] =	vst v4  }
0x2f3: {  	[tilespmem:s9+$0xFFFFFFD0] =	vst v4;
	s10 =	simm.s32 $0x0  }
0x2f4: {  	[tilespmem:s10], [sflag:$0x1] =	stream.linear.gather [hbm4b:s26+s10], $0x1F40, $0x38;
	[tilespmem:$0x1D100] =	vst v63  }
.LBB2_60:
0x2f5: {  	s12 =	smul.u32 $0x3E80, s10;
	_ =	sdelay $0x1  }
0x2f6: {  	s9 =	sadd.s32 s12, s28  }
0x2f7: {  	s9 =	sshrl.u32 s9, $0x3  }
0x2f8: {  	s9 =	sadd.s32 s15, s9  }
0x2f9: {  	[tilespmem:s4], [sflag:$0x2] =	stream.linear.gather [hbm4b:s9+s1], $0x1F40, $0x38;
	[tilespmem:$0x1D100] =	vst v63  }
0x2fa: {  	_ =	swait.ge [sflag:s11], $0x1F40  }
0x2fb: {  	[sflag:s11] =	ssyncset.done $0x0  }
0x2fc: {  	s17 =	simm.s32 $0x40;
	[sflag:s11] =	ssyncadd.s32 $0xFFFFE0C0  }
0x2fd: {  	v7 =	vld [tilespmem:s17+$0x30]  }
0x2fe: {  	v8 =	vld [tilespmem:s17+$0xFFFFFFD0]  }
0x2ff: {  	v9 =	vld [tilespmem:s17+$0xFFFFFFE0]  }
0x300: {  	v10 =	vld [tilespmem:s17+$0xFFFFFFF0]  }
0x301: {  	v11 =	vld [tilespmem:s17+$0x0]  }
0x302: {  	v7 =	vsub.s32 v7, v3  }
0x303: {  	v8 =	vsub.s32 v8, v3;
	v7 =	vmin.u32 v7, v5  }
0x304: {  	v9 =	vsub.s32 v9, v3;
	v8 =	vmin.u32 v8, v5  }
0x305: {  	v12 =	vld [tilespmem:s17+$0x10];
	v10 =	vsub.s32 v10, v3;
	v9 =	vmin.u32 v9, v5  }
0x306: {  	v13 =	vld [tilespmem:s17+$0x20];
	v11 =	vsub.s32 v11, v3;
	v10 =	vmin.u32 v10, v5  }
0x307: {  	v14 =	vld [tilespmem:s17+$0xFFFFFFC0];
	v11 =	vmin.u32 v11, v5  }
0x308: {  	[tilespmem:v7+s6+$0x0] =	vst.idx.add.f32.msk $0xffff, v6  }
0x309: {  	[tilespmem:v8+s6+$0x0] =	vst.idx.add.f32.msk $0xffff, v6  }
0x30a: {  	[tilespmem:v9+s6+$0x0] =	vst.idx.add.f32.msk $0xffff, v6  }
0x30b: {  	v7 =	vsub.s32 v12, v3;
	[tilespmem:v10+s6+$0x0] =	vst.idx.add.f32.msk $0xffff, v6  }
0x30c: {  	v8 =	vsub.s32 v13, v3;
	v9 =	vsub.s32 v14, v3;
	[tilespmem:v11+s6+$0x0] =	vst.idx.add.f32.msk $0xffff, v6  }
0x30d: {  	s13 =	simm.s32 $0xC0;
	s9 =	simm.s32 $0x0;
	v7 =	vmin.u32 v7, v5;
	v8 =	vmin.u32 v8, v5;
	v9 =	vmin.u32 v9, v5  }
.LBB2_61:
0x30e: {  	v10 =	vld [tilespmem:s13+$0x30];
	s9 =	sadd.s32 $0x80, s9  }
0x30f: {  	v11 =	vld [tilespmem:s13+$0xFFFFFFD0];
	p0 =	slt.u32 s9, $0x1E80  }
0x310: {  	v12 =	vld [tilespmem:s13+$0xFFFFFFE0]  }
0x311: {  	v13 =	vld [tilespmem:s13+$0xFFFFFFF0]  }
0x312: {  	v14 =	vld [tilespmem:s13+$0x0]  }
0x313: {  	v15 =	vld [tilespmem:s13+$0x10];
	v10 =	vsub.s32 v10, v3  }
0x314: {  	v11 =	vsub.s32 v11, v3;
	v16 =	vld [tilespmem:s13+$0x20];
	v10 =	vmin.u32 v10, v5  }
0x315: {  	v17 =	vld [tilespmem:s13+$0xFFFFFFC0];
	v11 =	vmin.u32 v11, v5;
	v12 =	vsub.s32 v12, v3  }
0x316: {  	v12 =	vmin.u32 v12, v5;
	v13 =	vsub.s32 v13, v3;
	[tilespmem:v9+s6+$0x0] =	vst.idx.add.f32.msk $0xffff, v6  }
0x317: {  	v13 =	vmin.u32 v13, v5;
	v9 =	vsub.s32 v14, v3;
	[tilespmem:v7+s6+$0x0] =	vst.idx.add.f32.msk $0xffff, v6  }
0x318: {  	v14 =	vmin.u32 v9, v5;
	v7 =	vsub.s32 v15, v3;
	[tilespmem:v8+s6+$0x0] =	vst.idx.add.f32.msk $0xffff, v6  }
.Ltmp29:
0x319: {  	s14 =	simm.s32 $0x1EF0;
	s16 =	simm.s32 $0x1F00;
	v7 =	vmin.u32 v7, v5;
	v8 =	vsub.s32 v16, v3;
	[tilespmem:v10+s6+$0x0] =	vst.idx.add.f32.msk $0xffff, v6;
	(pc) =	sbr.rel @p0 .LBB2_61-.Ltmp29, $4  }
0x31a: {  	v9 =	vsub.s32 v17, v3;
	[tilespmem:v11+s6+$0x0] =	vst.idx.add.f32.msk $0xffff, v6;
	v8 =	vmin.u32 v8, v5  }
0x31b: {  	v9 =	vmin.u32 v9, v5;
	[tilespmem:v12+s6+$0x0] =	vst.idx.add.f32.msk $0xffff, v6  }
0x31c: {  	[tilespmem:v13+s6+$0x0] =	vst.idx.add.f32.msk $0xffff, v6  }
0x31d: {  	s13 =	sadd.s32 $0x80, s13;
	[tilespmem:v14+s6+$0x0] =	vst.idx.add.f32.msk $0xffff, v6  }
0x31e: {  	_ =	sdelay $0x3  }
0x31f: {  	[tilespmem:v9+s6+$0x0] =	vst.idx.add.f32.msk $0xffff, v6  }
0x320: {  	[tilespmem:v7+s6+$0x0] =	vst.idx.add.f32.msk $0xffff, v6  }
0x321: {  	[tilespmem:v8+s6+$0x0] =	vst.idx.add.f32.msk $0xffff, v6  }
.LBB2_63:
0x322: {  	v7 =	vld [tilespmem:s16+$0x0];
	_ =	sdelay $0x4  }
0x323: {  	s14 =	sadd.s32 $0x10, s14;
	v7 =	vsub.s32 v7, v3  }
0x324: {  	p0 =	slt.u32 s14, $0x1F30;
	v7 =	vmin.u32 v7, v5  }
.Ltmp30:
0x325: {  	_ = 	snop;
	(pc) =	sbr.rel @p0 .LBB2_63-.Ltmp30, $2  }
0x326: {  	_ =	sdelay $0x2  }
0x327: {  	s16 =	sadd.s32 $0x10, s16;
	[tilespmem:v7+s6+$0x0] =	vst.idx.add.f32.msk $0xffff, v6  }
0x328: {  	p0 =	seq.s32 s10, $0x13  }
0x329: {  	s9 =	sadd.s32 @!p0 s12, s29  }
0x32a: {  	s9 =	sshrl.u32 @!p0 s9, $0x3  }
0x32b: {  	s12 =	simm.s32 @!p0 $0x0;
	s9 =	sadd.s32 @!p0 s15, s9  }
0x32c: {  	[tilespmem:s12], [sflag:$0x1] =	stream.linear.gather @!p0 [hbm4b:s9+s12], $0x1F40, $0x38;
	[tilespmem:$0x1D100] =	vst v63  }
0x32d: {  	_ =	swait.ge [sflag:s7], $0x1F40  }
0x32e: {  	[sflag:s7] =	ssyncset.done $0x0  }
0x32f: {  	s17 =	simm.s32 $0x1FC0;
	[sflag:s7] =	ssyncadd.s32 $0xFFFFE0C0  }
0x330: {  	v7 =	vld [tilespmem:s17+$0x30]  }
0x331: {  	v8 =	vld [tilespmem:s17+$0xFFFFFFD0]  }
0x332: {  	v9 =	vld [tilespmem:s17+$0xFFFFFFE0]  }
0x333: {  	v10 =	vld [tilespmem:s17+$0xFFFFFFF0]  }
0x334: {  	v11 =	vld [tilespmem:s17+$0x0]  }
0x335: {  	v7 =	vsub.s32 v7, v3  }
0x336: {  	v8 =	vsub.s32 v8, v3;
	v7 =	vmin.u32 v7, v5  }
0x337: {  	v9 =	vsub.s32 v9, v3;
	v8 =	vmin.u32 v8, v5  }
0x338: {  	v12 =	vld [tilespmem:s17+$0x10];
	v10 =	vsub.s32 v10, v3;
	v9 =	vmin.u32 v9, v5  }
0x339: {  	v13 =	vld [tilespmem:s17+$0x20];
	v11 =	vsub.s32 v11, v3;
	v10 =	vmin.u32 v10, v5  }
0x33a: {  	v14 =	vld [tilespmem:s17+$0xFFFFFFC0];
	v11 =	vmin.u32 v11, v5  }
0x33b: {  	[tilespmem:v7+s6+$0x0] =	vst.idx.add.f32.msk $0xffff, v6  }
0x33c: {  	[tilespmem:v8+s6+$0x0] =	vst.idx.add.f32.msk $0xffff, v6  }
0x33d: {  	[tilespmem:v9+s6+$0x0] =	vst.idx.add.f32.msk $0xffff, v6  }
0x33e: {  	v7 =	vsub.s32 v12, v3;
	[tilespmem:v10+s6+$0x0] =	vst.idx.add.f32.msk $0xffff, v6  }
0x33f: {  	v8 =	vsub.s32 v13, v3;
	v9 =	vsub.s32 v14, v3;
	[tilespmem:v11+s6+$0x0] =	vst.idx.add.f32.msk $0xffff, v6  }
0x340: {  	s9 =	simm.s32 $0x0;
	s12 =	simm.s32 $0x2040;
	v7 =	vmin.u32 v7, v5;
	v8 =	vmin.u32 v8, v5;
	v9 =	vmin.u32 v9, v5  }
.LBB2_65:
0x341: {  	v10 =	vld [tilespmem:s12+$0x30];
	s9 =	sadd.s32 $0x80, s9  }
0x342: {  	v11 =	vld [tilespmem:s12+$0xFFFFFFD0];
	p0 =	slt.u32 s9, $0x1E80  }
0x343: {  	v12 =	vld [tilespmem:s12+$0xFFFFFFE0]  }
0x344: {  	v13 =	vld [tilespmem:s12+$0xFFFFFFF0]  }
0x345: {  	v14 =	vld [tilespmem:s12+$0x0]  }
0x346: {  	v15 =	vld [tilespmem:s12+$0x10];
	v10 =	vsub.s32 v10, v3  }
0x347: {  	v11 =	vsub.s32 v11, v3;
	v16 =	vld [tilespmem:s12+$0x20];
	v10 =	vmin.u32 v10, v5  }
0x348: {  	v17 =	vld [tilespmem:s12+$0xFFFFFFC0];
	v11 =	vmin.u32 v11, v5;
	v12 =	vsub.s32 v12, v3  }
0x349: {  	v12 =	vmin.u32 v12, v5;
	v13 =	vsub.s32 v13, v3;
	[tilespmem:v9+s6+$0x0] =	vst.idx.add.f32.msk $0xffff, v6  }
0x34a: {  	v13 =	vmin.u32 v13, v5;
	v9 =	vsub.s32 v14, v3;
	[tilespmem:v7+s6+$0x0] =	vst.idx.add.f32.msk $0xffff, v6  }
0x34b: {  	v14 =	vmin.u32 v9, v5;
	v7 =	vsub.s32 v15, v3;
	[tilespmem:v8+s6+$0x0] =	vst.idx.add.f32.msk $0xffff, v6  }
.Ltmp31:
0x34c: {  	s13 =	simm.s32 $0x1EF0;
	s14 =	simm.s32 $0x3E80;
	v7 =	vmin.u32 v7, v5;
	v8 =	vsub.s32 v16, v3;
	[tilespmem:v10+s6+$0x0] =	vst.idx.add.f32.msk $0xffff, v6;
	(pc) =	sbr.rel @p0 .LBB2_65-.Ltmp31, $4  }
0x34d: {  	v9 =	vsub.s32 v17, v3;
	[tilespmem:v11+s6+$0x0] =	vst.idx.add.f32.msk $0xffff, v6;
	v8 =	vmin.u32 v8, v5  }
0x34e: {  	v9 =	vmin.u32 v9, v5;
	[tilespmem:v12+s6+$0x0] =	vst.idx.add.f32.msk $0xffff, v6  }
0x34f: {  	[tilespmem:v13+s6+$0x0] =	vst.idx.add.f32.msk $0xffff, v6  }
0x350: {  	s12 =	sadd.s32 $0x80, s12;
	[tilespmem:v14+s6+$0x0] =	vst.idx.add.f32.msk $0xffff, v6  }
0x351: {  	_ =	sdelay $0x3  }
0x352: {  	[tilespmem:v9+s6+$0x0] =	vst.idx.add.f32.msk $0xffff, v6  }
0x353: {  	[tilespmem:v7+s6+$0x0] =	vst.idx.add.f32.msk $0xffff, v6  }
0x354: {  	[tilespmem:v8+s6+$0x0] =	vst.idx.add.f32.msk $0xffff, v6  }
.LBB2_67:
0x355: {  	v7 =	vld [tilespmem:s14+$0x0];
	_ =	sdelay $0x4  }
0x356: {  	s13 =	sadd.s32 $0x10, s13;
	v7 =	vsub.s32 v7, v3  }
0x357: {  	p0 =	slt.u32 s13, $0x1F30;
	v7 =	vmin.u32 v7, v5  }
.Ltmp32:
0x358: {  	_ = 	snop;
	(pc) =	sbr.rel @p0 .LBB2_67-.Ltmp32, $2  }
0x359: {  	_ =	sdelay $0x2  }
0x35a: {  	s14 =	sadd.s32 $0x10, s14;
	[tilespmem:v7+s6+$0x0] =	vst.idx.add.f32.msk $0xffff, v6  }
0x35b: {  	s10 =	sadd.s32 $0x1, s10  }
0x35c: {  	p0 =	sne.s32 s10, $0x14  }
.Ltmp33:
0x35d: {  	_ = 	snop;
	(pc) =	sbr.rel @p0 .LBB2_60-.Ltmp33, $1  }
0x35e: {  	_ =	sdelay $0x3  }
0x35f: {  	s8 =	sadd.s32 $0x1, s8  }
0x360: {  	p0 =	sne.s32 s8, s31  }
.Ltmp34:
0x361: {  	s9 =	rddreg [dreg:$0xf];
	(pc) =	sbr.rel @p0 .LBB2_1-.Ltmp34, $4  }
0x362: {  	[hbm4b:s9+s1] =	stream.linear.scatter [tilespmem:s6], [sflag:$0x4], $0x14000, $0x38;
	[tilespmem:$0x1D100] =	vst v63  }
0x363: {  	_ =	swait.ge [sflag:s0], $0x14000  }
0x364: {  	[sflag:s0] =	ssyncset.done $0x0  }
0x365: {  	[sflag:s0] =	ssyncadd.s32 $0xFFFEC000  }
0x366: {  	_ =	sfence.sel $0x180000  }
0x367: {  	[bflag:$0x0] =	sbarrier.arrive $0xFFFF  }
0x368: {  	_ =	strace $0x90000047  }
0x369: {  	s0 =	stileid.u32;
	[bflag:$0x2] =	sbarrier.arrive $0xFFFF  }
0x36a: {  	p0 =	sne.s32 s0, $0x0;
	s0 =	rddreg [dreg:$0x4]  }
0x36b: {  	s0 =	sadd.s32 @!p0 $0x100000, s0  }
0x36c: {  	[sflag:s0] =	ssyncadd.tile.s32 @!p0 $0x1;
	_ =	shalt  }
.Lfunc_end2:
_tile_overlayer_lowered:
.L_overlay_start_2:
0x36d: {  	(tag) =	ssettag $0x2  }
0x36e: {  	s0 =	rddreg [dreg:$0x0];
	s2 =	stileid.u32  }
0x36f: {  	s1 =	rddreg [dreg:$0x1];
	p0 =	sne.s32 s2, $0x0  }
0x370: {  	s3 =	rddreg [dreg:$0x2];
	[bflag:$0x3] =	sbarrier.arrive $0xFFFF;
	s2 =	simm.s32 @!p0 $0x1C04  }
0x371: {  	[timem:s3], [sflag:s2] =	dma.local @!p0 [hbm:s0], s1  }
0x372: {  	s0 =	simm.s32 @!p0 $0x4  }
0x373: {  	_ =	swait.ge @!p0 [sflag:s0], s1  }
0x374: {  	s1 =	ssub.s32 @!p0 $0x0, s1;
	[sflag:s0] =	ssyncset.done @!p0 $0x0  }
0x375: {  	[sflag:s0] =	ssyncadd.s32 @!p0 s1  }
0x376: {  	[bflag:$0x3] =	sbarrier.arrive $0xFFFF  }
0x377: {  	_ =	shalt  }

</sc_bundles>
